<compile_context>
chip_gen: v7x
topology: tpu7x:2x2x1
jax: 0.10.2.dev20260603
libtpu: 0.0.44.dev20260713+nightly
codegen_flags: <defaults>
</compile_context>

<pallas_src>
import functools

import jax
import jax.numpy as jnp
from jax import lax
from jax.experimental import pallas as pl
from jax.experimental.pallas import tpu as pltpu
from jax.experimental.pallas import tpu_sc as plsc

NUM_CORES = 2
LANES = 16
NW = 32

BATCH = 16384
EMBED = 32
B_PER_W = BATCH // NW
NBUF = 8


def _k1_body(ut_hbm, uidx_hbm, uw_hbm, uidx_v, tbuf, ucols, sem):
    wid = lax.axis_index("s") * NUM_CORES + lax.axis_index("c")
    base = wid * B_PER_W

    pltpu.sync_copy(uidx_hbm.at[pl.ds(base, B_PER_W)],
                    uidx_v.at[pl.ds(0, B_PER_W)])
    iota = lax.iota(jnp.int32, LANES)

    def idx_at(e):
        return uidx_v[pl.ds(e, LANES)][0]

    def fire(e, slot):
        c = idx_at(e)
        col0 = pl.multiple_of((c >> 7) * 128, 128)
        pltpu.async_copy(ut_hbm.at[:, pl.ds(col0, 128)], tbuf.at[slot], sem)

    def extract(e, slot):
        c = idx_at(e)
        lane = jnp.full((LANES,), c & 127, jnp.int32)
        slot_v = jnp.zeros((LANES,), jnp.int32) + slot
        g0 = plsc.load_gather(tbuf, [slot_v, iota, lane])
        g1 = plsc.load_gather(tbuf, [slot_v, iota + LANES, lane])
        ucols[pl.ds(e * EMBED, LANES)] = g0
        ucols[pl.ds(e * EMBED + LANES, LANES)] = g1

    for e in range(NBUF):
        fire(e, e)

    def step(e, _):
        slot = lax.rem(e, NBUF)
        pltpu.make_async_copy(ut_hbm.at[:, pl.ds(0, 128)],
                              tbuf.at[slot], sem).wait()
        extract(e, slot)
        fire(e + NBUF, lax.rem(e + NBUF, NBUF))
        return _

    lax.fori_loop(0, B_PER_W - NBUF, step, None)

    def tail(e, _):
        slot = lax.rem(e, NBUF)
        pltpu.make_async_copy(ut_hbm.at[:, pl.ds(0, 128)],
                              tbuf.at[slot], sem).wait()
        extract(e, slot)
        return _

    lax.fori_loop(B_PER_W - NBUF, B_PER_W, tail, None)

    pltpu.sync_copy(ucols, uw_hbm.at[pl.ds(base * EMBED, B_PER_W * EMBED)])


_k1 = functools.partial(
    pl.kernel,
    out_type=jax.ShapeDtypeStruct((BATCH * EMBED,), jnp.float32),
    mesh=plsc.VectorSubcoreMesh(core_axis_name="c", subcore_axis_name="s"),
    compiler_params=pltpu.CompilerParams(needs_layout_passes=False),
    scratch_types=[
        pltpu.VMEM((B_PER_W + LANES,), jnp.int32),
        pltpu.VMEM((NBUF, EMBED, 128), jnp.float32),
        pltpu.VMEM((B_PER_W * EMBED,), jnp.float32),
        pltpu.SemaphoreType.DMA,
    ],
)(_k1_body)


def _k2_body(rt_hbm, ridx_hbm, uw_hbm, wb_hbm, out_hbm,
             ridx_v, r_rows, u_flat, wb_v, out_v, sem):
    wid = lax.axis_index("s") * NUM_CORES + lax.axis_index("c")
    base = wid * B_PER_W

    pltpu.sync_copy(wb_hbm, wb_v)
    pltpu.sync_copy(ridx_hbm.at[pl.ds(base, B_PER_W)], ridx_v)
    pltpu.sync_copy(uw_hbm.at[pl.ds(base * EMBED, B_PER_W * EMBED)], u_flat)

    copies = []
    for j in range(4):
        copies.append(pltpu.async_copy(
            rt_hbm.at[ridx_v.at[pl.ds(j * 128, 128)]],
            r_rows.at[pl.ds(j * 128, 128)], sem))
    for c in copies:
        c.wait()

    wvs = [wb_v[pl.ds(d * LANES, LANES)] for d in range(EMBED)]
    bias_v = wb_v[pl.ds(EMBED * LANES, LANES)]
    iota = lax.iota(jnp.int32, LANES)

    def group(g, _):
        rows = g * LANES + iota
        acc = bias_v
        for d in range(EMBED):
            dsp = jnp.full((LANES,), d, jnp.int32)
            uv = plsc.load_gather(u_flat, [rows * EMBED + dsp])
            rv = plsc.load_gather(r_rows, [rows, dsp])
            acc = acc + uv * rv * wvs[d]
        out_v[pl.ds(g * LANES, LANES)] = acc
        return _

    lax.fori_loop(0, B_PER_W // LANES, group, None)
    pltpu.sync_copy(out_v, out_hbm.at[pl.ds(base, B_PER_W)])


_k2 = functools.partial(
    pl.kernel,
    out_type=jax.ShapeDtypeStruct((BATCH,), jnp.float32),
    mesh=plsc.VectorSubcoreMesh(core_axis_name="c", subcore_axis_name="s"),
    compiler_params=pltpu.CompilerParams(needs_layout_passes=False,
                                         use_tc_tiling_on_sc=False),
    scratch_types=[
        pltpu.VMEM((B_PER_W,), jnp.int32),
        pltpu.VMEM((B_PER_W, EMBED), jnp.float32),
        pltpu.VMEM((B_PER_W * EMBED,), jnp.float32),
        pltpu.VMEM(((EMBED + 1) * LANES,), jnp.float32),
        pltpu.VMEM((B_PER_W,), jnp.float32),
        pltpu.SemaphoreType.DMA,
    ],
)(_k2_body)


@jax.jit
def kernel(user, restaurant, user_table, restaurant_table, fc_w, fc_b):
    wb = jnp.concatenate([
        jnp.broadcast_to(fc_w.reshape(EMBED)[:, None],
                         (EMBED, LANES)).reshape(EMBED * LANES),
        jnp.full((LANES,), fc_b[0], jnp.float32),
    ])
    uw = _k1(user_table.T, user.astype(jnp.int32))
    return _k2(restaurant_table, restaurant.astype(jnp.int32), uw, wb)

# --- scband reference (transcript-rebuilt; emitter-appended) ---
"""Pipeline reference for scband-two-tower-model-6674379178645 (READ-ONLY COPY).

The authoritative reference and input builder live on the scoring server;
editing this copy changes nothing except your own understanding.
"""

import jax, jax.numpy as jnp
import numpy as np

NUM_USERS = 1000000
NUM_RESTAURANTS = 100000
EMBED_DIM = 32
BATCH = 16384

def setup_inputs(seed: int = 0) -> dict:
    key = jax.random.key(seed)
    k1, k2, k3, k4, k5, k6 = jax.random.split(key, 6)
    user = jax.random.randint(k1, (BATCH,), 0, NUM_USERS, dtype=jnp.int64 if jax.config.jax_enable_x64 else jnp.int32)
    restaurant = jax.random.randint(k2, (BATCH,), 0, NUM_RESTAURANTS, dtype=jnp.int64 if jax.config.jax_enable_x64 else jnp.int32)
    user_table = jax.random.normal(k3, (NUM_USERS, EMBED_DIM), dtype=jnp.float32)
    restaurant_table = jax.random.normal(k4, (NUM_RESTAURANTS, EMBED_DIM), dtype=jnp.float32)
    fc_w = jax.random.normal(k5, (1, EMBED_DIM), dtype=jnp.float32) * (1.0 / np.sqrt(EMBED_DIM))
    fc_b = jax.random.normal(k6, (1,), dtype=jnp.float32) * 0.01
    return {"user": user, "restaurant": restaurant, "user_table": user_table, "restaurant_table": restaurant_table, "fc_w": fc_w, "fc_b": fc_b}

def reference(user, restaurant, user_table, restaurant_table, fc_w, fc_b):
    u = jnp.take(user_table, user, axis=0)          # [B, D] gather
    r = jnp.take(restaurant_table, restaurant, axis=0)  # [B, D] gather
    x = u * r                                        # [B, D]
    out = x @ fc_w.T + fc_b                          # [B, 1]
    return jnp.squeeze(out, axis=-1)                 # [B]

if __name__ == "__main__":
    import jax
    _d = setup_inputs()
    print(jax.jit(kernel)(*tuple(_d.values())))

</pallas_src>

<mosaic_0001>
#map = affine_map<(d0, d1) -> (0, 0)>
#map1 = affine_map<(d0, d1) -> (0)>
module attributes {stable_mosaic.version = 14 : i64} {
  func.func @_k2_body(%arg0: i32, %arg1: i32, %arg2: memref<100000x32xf32, #tpu.memory_space<hbm>>, %arg3: memref<16384xi32, #tpu.memory_space<hbm>>, %arg4: memref<524288xf32, #tpu.memory_space<hbm>>, %arg5: memref<528xf32, #tpu.memory_space<hbm>>, %arg6: memref<16384xf32, #tpu.memory_space<hbm>>, %arg7: memref<512xi32, #tpu.memory_space<vmem>>, %arg8: memref<512x32xf32, #tpu.memory_space<vmem>>, %arg9: memref<16384xf32, #tpu.memory_space<vmem>>, %arg10: memref<528xf32, #tpu.memory_space<vmem>>, %arg11: memref<512xf32, #tpu.memory_space<vmem>>, %arg12: memref<!tpu.dma_semaphore, #tpu.memory_space<semaphore_mem>>) attributes {dimension_semantics = [#tpu.dimension_semantics<core_parallel>, #tpu.dimension_semantics<subcore_parallel>], iteration_bounds = array<i64: 2, 16>, scalar_prefetch = 0 : i64, scratch_operands = 6 : i64, tpu.core_type = #tpu.core_type<sc_vector_subcore>, window_params = [{transform_indices = #map}, {transform_indices = #map1}, {transform_indices = #map1}, {transform_indices = #map1}, {transform_indices = #map1}]} {
    %mul3A = arith.constant 2 : i32
    %mul3A_0 = arith.muli %arg1, %mul3A : i32
    %add3A = arith.addi %mul3A_0, %arg0 : i32
    %mul3A_1 = arith.constant 512 : i32
    %mul3A_2 = arith.muli %add3A, %mul3A_1 : i32
    "tpu.region"() ({
      %run_scoped3A = tpu.sem_alloc : memref<!tpu.dma_semaphore, #tpu.memory_space<semaphore_mem>>
      tpu.enqueue_dma source(%arg5 : memref<528xf32, #tpu.memory_space<hbm>>) target(%arg10 : memref<528xf32, #tpu.memory_space<vmem>>) target_semaphore(%run_scoped3A : memref<!tpu.dma_semaphore, #tpu.memory_space<semaphore_mem>>)
      tpu.wait_dma2 semaphore(%run_scoped3A : memref<!tpu.dma_semaphore, #tpu.memory_space<semaphore_mem>>) src(%arg5 : memref<528xf32, #tpu.memory_space<hbm>>) dst(%arg10 : memref<528xf32, #tpu.memory_space<vmem>>)
      tpu.yield
    }) : () -> ()
    "tpu.region"() ({
      %run_scoped3A = tpu.sem_alloc : memref<!tpu.dma_semaphore, #tpu.memory_space<semaphore_mem>>
      %dma_start3A_136 = tpu.memref_slice %arg3[%mul3A_2] : memref<16384xi32, #tpu.memory_space<hbm>> -> memref<512xi32, #tpu.memory_space<hbm>>
      %dma_start3A_137 = tpu.memref_slice %arg3[%mul3A_2] : memref<16384xi32, #tpu.memory_space<hbm>> -> memref<512xi32, #tpu.memory_space<hbm>>
      tpu.enqueue_dma source(%dma_start3A_137 : memref<512xi32, #tpu.memory_space<hbm>>) target(%arg7 : memref<512xi32, #tpu.memory_space<vmem>>) target_semaphore(%run_scoped3A : memref<!tpu.dma_semaphore, #tpu.memory_space<semaphore_mem>>)
      %dma_wait3A_138 = tpu.memref_slice %arg3[%mul3A_2] : memref<16384xi32, #tpu.memory_space<hbm>> -> memref<512xi32, #tpu.memory_space<hbm>>
      %dma_wait3A_139 = tpu.memref_slice %arg3[%mul3A_2] : memref<16384xi32, #tpu.memory_space<hbm>> -> memref<512xi32, #tpu.memory_space<hbm>>
      tpu.wait_dma2 semaphore(%run_scoped3A : memref<!tpu.dma_semaphore, #tpu.memory_space<semaphore_mem>>) src(%dma_wait3A_139 : memref<512xi32, #tpu.memory_space<hbm>>) dst(%arg7 : memref<512xi32, #tpu.memory_space<vmem>>)
      tpu.yield
    }) : () -> ()
    %mul3A_3 = arith.constant 32 : i32
    %mul3A_4 = arith.muli %mul3A_2, %mul3A_3 : i32
    "tpu.region"() ({
      %run_scoped3A = tpu.sem_alloc : memref<!tpu.dma_semaphore, #tpu.memory_space<semaphore_mem>>
      %dma_start3A_136 = tpu.memref_slice %arg4[%mul3A_4] : memref<524288xf32, #tpu.memory_space<hbm>> -> memref<16384xf32, #tpu.memory_space<hbm>>
      %dma_start3A_137 = tpu.memref_slice %arg4[%mul3A_4] : memref<524288xf32, #tpu.memory_space<hbm>> -> memref<16384xf32, #tpu.memory_space<hbm>>
      tpu.enqueue_dma source(%dma_start3A_137 : memref<16384xf32, #tpu.memory_space<hbm>>) target(%arg9 : memref<16384xf32, #tpu.memory_space<vmem>>) target_semaphore(%run_scoped3A : memref<!tpu.dma_semaphore, #tpu.memory_space<semaphore_mem>>)
      %dma_wait3A_138 = tpu.memref_slice %arg4[%mul3A_4] : memref<524288xf32, #tpu.memory_space<hbm>> -> memref<16384xf32, #tpu.memory_space<hbm>>
      %dma_wait3A_139 = tpu.memref_slice %arg4[%mul3A_4] : memref<524288xf32, #tpu.memory_space<hbm>> -> memref<16384xf32, #tpu.memory_space<hbm>>
      tpu.wait_dma2 semaphore(%run_scoped3A : memref<!tpu.dma_semaphore, #tpu.memory_space<semaphore_mem>>) src(%dma_wait3A_139 : memref<16384xf32, #tpu.memory_space<hbm>>) dst(%arg9 : memref<16384xf32, #tpu.memory_space<vmem>>)
      tpu.yield
    }) : () -> ()
    %dma_start3A = arith.constant 0 : i32
    %dma_start3A_5 = arith.constant 0 : i32
    %dma_start3A_6 = tpu.memref_slice %arg8[%dma_start3A, %dma_start3A_5] : memref<512x32xf32, #tpu.memory_space<vmem>> -> memref<128x32xf32, #tpu.memory_space<vmem>>
    %dma_start3A_7 = arith.constant 0 : i32
    %dma_start3A_8 = tpu.memref_slice %arg7[%dma_start3A_7] : memref<512xi32, #tpu.memory_space<vmem>> -> memref<128xi32, #tpu.memory_space<vmem>>
    %dma_start3A_9 = arith.constant 0 : i32
    %dma_start3A_10 = arith.constant 0 : i32
    %dma_start3A_11 = tpu.memref_slice %arg2[%dma_start3A_9, %dma_start3A_10] : memref<100000x32xf32, #tpu.memory_space<hbm>> -> memref<100000x32xf32, #tpu.memory_space<hbm>>
    tpu.enqueue_indirect_dma source(%dma_start3A_11 : memref<100000x32xf32, #tpu.memory_space<hbm>>) target(%dma_start3A_6 : memref<128x32xf32, #tpu.memory_space<vmem>>) offsets(%dma_start3A_8 : memref<128xi32, #tpu.memory_space<vmem>>) semaphore(%arg12 : memref<!tpu.dma_semaphore, #tpu.memory_space<semaphore_mem>>)
    %dma_start3A_12 = arith.constant 128 : i32
    %dma_start3A_13 = arith.constant 0 : i32
    %dma_start3A_14 = tpu.memref_slice %arg8[%dma_start3A_12, %dma_start3A_13] : memref<512x32xf32, #tpu.memory_space<vmem>> -> memref<128x32xf32, #tpu.memory_space<vmem>>
    %dma_start3A_15 = arith.constant 128 : i32
    %dma_start3A_16 = tpu.memref_slice %arg7[%dma_start3A_15] : memref<512xi32, #tpu.memory_space<vmem>> -> memref<128xi32, #tpu.memory_space<vmem>>
    %dma_start3A_17 = arith.constant 0 : i32
    %dma_start3A_18 = arith.constant 0 : i32
    %dma_start3A_19 = tpu.memref_slice %arg2[%dma_start3A_17, %dma_start3A_18] : memref<100000x32xf32, #tpu.memory_space<hbm>> -> memref<100000x32xf32, #tpu.memory_space<hbm>>
    tpu.enqueue_indirect_dma source(%dma_start3A_19 : memref<100000x32xf32, #tpu.memory_space<hbm>>) target(%dma_start3A_14 : memref<128x32xf32, #tpu.memory_space<vmem>>) offsets(%dma_start3A_16 : memref<128xi32, #tpu.memory_space<vmem>>) semaphore(%arg12 : memref<!tpu.dma_semaphore, #tpu.memory_space<semaphore_mem>>)
    %dma_start3A_20 = arith.constant 256 : i32
    %dma_start3A_21 = arith.constant 0 : i32
    %dma_start3A_22 = tpu.memref_slice %arg8[%dma_start3A_20, %dma_start3A_21] : memref<512x32xf32, #tpu.memory_space<vmem>> -> memref<128x32xf32, #tpu.memory_space<vmem>>
    %dma_start3A_23 = arith.constant 256 : i32
    %dma_start3A_24 = tpu.memref_slice %arg7[%dma_start3A_23] : memref<512xi32, #tpu.memory_space<vmem>> -> memref<128xi32, #tpu.memory_space<vmem>>
    %dma_start3A_25 = arith.constant 0 : i32
    %dma_start3A_26 = arith.constant 0 : i32
    %dma_start3A_27 = tpu.memref_slice %arg2[%dma_start3A_25, %dma_start3A_26] : memref<100000x32xf32, #tpu.memory_space<hbm>> -> memref<100000x32xf32, #tpu.memory_space<hbm>>
    tpu.enqueue_indirect_dma source(%dma_start3A_27 : memref<100000x32xf32, #tpu.memory_space<hbm>>) target(%dma_start3A_22 : memref<128x32xf32, #tpu.memory_space<vmem>>) offsets(%dma_start3A_24 : memref<128xi32, #tpu.memory_space<vmem>>) semaphore(%arg12 : memref<!tpu.dma_semaphore, #tpu.memory_space<semaphore_mem>>)
    %dma_start3A_28 = arith.constant 384 : i32
    %dma_start3A_29 = arith.constant 0 : i32
    %dma_start3A_30 = tpu.memref_slice %arg8[%dma_start3A_28, %dma_start3A_29] : memref<512x32xf32, #tpu.memory_space<vmem>> -> memref<128x32xf32, #tpu.memory_space<vmem>>
    %dma_start3A_31 = arith.constant 384 : i32
    %dma_start3A_32 = tpu.memref_slice %arg7[%dma_start3A_31] : memref<512xi32, #tpu.memory_space<vmem>> -> memref<128xi32, #tpu.memory_space<vmem>>
    %dma_start3A_33 = arith.constant 0 : i32
    %dma_start3A_34 = arith.constant 0 : i32
    %dma_start3A_35 = tpu.memref_slice %arg2[%dma_start3A_33, %dma_start3A_34] : memref<100000x32xf32, #tpu.memory_space<hbm>> -> memref<100000x32xf32, #tpu.memory_space<hbm>>
    tpu.enqueue_indirect_dma source(%dma_start3A_35 : memref<100000x32xf32, #tpu.memory_space<hbm>>) target(%dma_start3A_30 : memref<128x32xf32, #tpu.memory_space<vmem>>) offsets(%dma_start3A_32 : memref<128xi32, #tpu.memory_space<vmem>>) semaphore(%arg12 : memref<!tpu.dma_semaphore, #tpu.memory_space<semaphore_mem>>)
    %dma_wait3A = arith.constant 0 : i32
    %dma_wait3A_36 = arith.constant 0 : i32
    %dma_wait3A_37 = tpu.memref_slice %arg8[%dma_wait3A, %dma_wait3A_36] : memref<512x32xf32, #tpu.memory_space<vmem>> -> memref<128x32xf32, #tpu.memory_space<vmem>>
    %dma_wait3A_38 = arith.constant 0 : i32
    %dma_wait3A_39 = tpu.memref_slice %arg7[%dma_wait3A_38] : memref<512xi32, #tpu.memory_space<vmem>> -> memref<128xi32, #tpu.memory_space<vmem>>
    %dma_wait3A_40 = arith.constant 0 : i32
    %dma_wait3A_41 = arith.constant 0 : i32
    %dma_wait3A_42 = tpu.memref_slice %arg2[%dma_wait3A_40, %dma_wait3A_41] : memref<100000x32xf32, #tpu.memory_space<hbm>> -> memref<100000x32xf32, #tpu.memory_space<hbm>>
    tpu.wait_indirect_dma semaphore(%arg12 : memref<!tpu.dma_semaphore, #tpu.memory_space<semaphore_mem>>) src(%dma_wait3A_42 : memref<100000x32xf32, #tpu.memory_space<hbm>>) dst(%dma_wait3A_37 : memref<128x32xf32, #tpu.memory_space<vmem>>)
    %dma_wait3A_43 = arith.constant 128 : i32
    %dma_wait3A_44 = arith.constant 0 : i32
    %dma_wait3A_45 = tpu.memref_slice %arg8[%dma_wait3A_43, %dma_wait3A_44] : memref<512x32xf32, #tpu.memory_space<vmem>> -> memref<128x32xf32, #tpu.memory_space<vmem>>
    %dma_wait3A_46 = arith.constant 128 : i32
    %dma_wait3A_47 = tpu.memref_slice %arg7[%dma_wait3A_46] : memref<512xi32, #tpu.memory_space<vmem>> -> memref<128xi32, #tpu.memory_space<vmem>>
    %dma_wait3A_48 = arith.constant 0 : i32
    %dma_wait3A_49 = arith.constant 0 : i32
    %dma_wait3A_50 = tpu.memref_slice %arg2[%dma_wait3A_48, %dma_wait3A_49] : memref<100000x32xf32, #tpu.memory_space<hbm>> -> memref<100000x32xf32, #tpu.memory_space<hbm>>
    tpu.wait_indirect_dma semaphore(%arg12 : memref<!tpu.dma_semaphore, #tpu.memory_space<semaphore_mem>>) src(%dma_wait3A_50 : memref<100000x32xf32, #tpu.memory_space<hbm>>) dst(%dma_wait3A_45 : memref<128x32xf32, #tpu.memory_space<vmem>>)
    %dma_wait3A_51 = arith.constant 256 : i32
    %dma_wait3A_52 = arith.constant 0 : i32
    %dma_wait3A_53 = tpu.memref_slice %arg8[%dma_wait3A_51, %dma_wait3A_52] : memref<512x32xf32, #tpu.memory_space<vmem>> -> memref<128x32xf32, #tpu.memory_space<vmem>>
    %dma_wait3A_54 = arith.constant 256 : i32
    %dma_wait3A_55 = tpu.memref_slice %arg7[%dma_wait3A_54] : memref<512xi32, #tpu.memory_space<vmem>> -> memref<128xi32, #tpu.memory_space<vmem>>
    %dma_wait3A_56 = arith.constant 0 : i32
    %dma_wait3A_57 = arith.constant 0 : i32
    %dma_wait3A_58 = tpu.memref_slice %arg2[%dma_wait3A_56, %dma_wait3A_57] : memref<100000x32xf32, #tpu.memory_space<hbm>> -> memref<100000x32xf32, #tpu.memory_space<hbm>>
    tpu.wait_indirect_dma semaphore(%arg12 : memref<!tpu.dma_semaphore, #tpu.memory_space<semaphore_mem>>) src(%dma_wait3A_58 : memref<100000x32xf32, #tpu.memory_space<hbm>>) dst(%dma_wait3A_53 : memref<128x32xf32, #tpu.memory_space<vmem>>)
    %dma_wait3A_59 = arith.constant 384 : i32
    %dma_wait3A_60 = arith.constant 0 : i32
    %dma_wait3A_61 = tpu.memref_slice %arg8[%dma_wait3A_59, %dma_wait3A_60] : memref<512x32xf32, #tpu.memory_space<vmem>> -> memref<128x32xf32, #tpu.memory_space<vmem>>
    %dma_wait3A_62 = arith.constant 384 : i32
    %dma_wait3A_63 = tpu.memref_slice %arg7[%dma_wait3A_62] : memref<512xi32, #tpu.memory_space<vmem>> -> memref<128xi32, #tpu.memory_space<vmem>>
    %dma_wait3A_64 = arith.constant 0 : i32
    %dma_wait3A_65 = arith.constant 0 : i32
    %dma_wait3A_66 = tpu.memref_slice %arg2[%dma_wait3A_64, %dma_wait3A_65] : memref<100000x32xf32, #tpu.memory_space<hbm>> -> memref<100000x32xf32, #tpu.memory_space<hbm>>
    tpu.wait_indirect_dma semaphore(%arg12 : memref<!tpu.dma_semaphore, #tpu.memory_space<semaphore_mem>>) src(%dma_wait3A_66 : memref<100000x32xf32, #tpu.memory_space<hbm>>) dst(%dma_wait3A_61 : memref<128x32xf32, #tpu.memory_space<vmem>>)
    %get3A = arith.constant 0 : index
    %get3A_67 = tpu.vector_load %arg10[%get3A] {strides = array<i32>} : memref<528xf32, #tpu.memory_space<vmem>>, vector<16xf32>,
    %get3A_68 = arith.constant 16 : index
    %get3A_69 = tpu.vector_load %arg10[%get3A_68] {strides = array<i32>} : memref<528xf32, #tpu.memory_space<vmem>>, vector<16xf32>,
    %get3A_70 = arith.constant 32 : index
    %get3A_71 = tpu.vector_load %arg10[%get3A_70] {strides = array<i32>} : memref<528xf32, #tpu.memory_space<vmem>>, vector<16xf32>,
    %get3A_72 = arith.constant 48 : index
    %get3A_73 = tpu.vector_load %arg10[%get3A_72] {strides = array<i32>} : memref<528xf32, #tpu.memory_space<vmem>>, vector<16xf32>,
    %get3A_74 = arith.constant 64 : index
    %get3A_75 = tpu.vector_load %arg10[%get3A_74] {strides = array<i32>} : memref<528xf32, #tpu.memory_space<vmem>>, vector<16xf32>,
    %get3A_76 = arith.constant 80 : index
    %get3A_77 = tpu.vector_load %arg10[%get3A_76] {strides = array<i32>} : memref<528xf32, #tpu.memory_space<vmem>>, vector<16xf32>,
    %get3A_78 = arith.constant 96 : index
    %get3A_79 = tpu.vector_load %arg10[%get3A_78] {strides = array<i32>} : memref<528xf32, #tpu.memory_space<vmem>>, vector<16xf32>,
    %get3A_80 = arith.constant 112 : index
    %get3A_81 = tpu.vector_load %arg10[%get3A_80] {strides = array<i32>} : memref<528xf32, #tpu.memory_space<vmem>>, vector<16xf32>,
    %get3A_82 = arith.constant 128 : index
    %get3A_83 = tpu.vector_load %arg10[%get3A_82] {strides = array<i32>} : memref<528xf32, #tpu.memory_space<vmem>>, vector<16xf32>,
    %get3A_84 = arith.constant 144 : index
    %get3A_85 = tpu.vector_load %arg10[%get3A_84] {strides = array<i32>} : memref<528xf32, #tpu.memory_space<vmem>>, vector<16xf32>,
    %get3A_86 = arith.constant 160 : index
    %get3A_87 = tpu.vector_load %arg10[%get3A_86] {strides = array<i32>} : memref<528xf32, #tpu.memory_space<vmem>>, vector<16xf32>,
    %get3A_88 = arith.constant 176 : index
    %get3A_89 = tpu.vector_load %arg10[%get3A_88] {strides = array<i32>} : memref<528xf32, #tpu.memory_space<vmem>>, vector<16xf32>,
    %get3A_90 = arith.constant 192 : index
    %get3A_91 = tpu.vector_load %arg10[%get3A_90] {strides = array<i32>} : memref<528xf32, #tpu.memory_space<vmem>>, vector<16xf32>,
    %get3A_92 = arith.constant 208 : index
    %get3A_93 = tpu.vector_load %arg10[%get3A_92] {strides = array<i32>} : memref<528xf32, #tpu.memory_space<vmem>>, vector<16xf32>,
    %get3A_94 = arith.constant 224 : index
    %get3A_95 = tpu.vector_load %arg10[%get3A_94] {strides = array<i32>} : memref<528xf32, #tpu.memory_space<vmem>>, vector<16xf32>,
    %get3A_96 = arith.constant 240 : index
    %get3A_97 = tpu.vector_load %arg10[%get3A_96] {strides = array<i32>} : memref<528xf32, #tpu.memory_space<vmem>>, vector<16xf32>,
    %get3A_98 = arith.constant 256 : index
    %get3A_99 = tpu.vector_load %arg10[%get3A_98] {strides = array<i32>} : memref<528xf32, #tpu.memory_space<vmem>>, vector<16xf32>,
    %get3A_100 = arith.constant 272 : index
    %get3A_101 = tpu.vector_load %arg10[%get3A_100] {strides = array<i32>} : memref<528xf32, #tpu.memory_space<vmem>>, vector<16xf32>,
    %get3A_102 = arith.constant 288 : index
    %get3A_103 = tpu.vector_load %arg10[%get3A_102] {strides = array<i32>} : memref<528xf32, #tpu.memory_space<vmem>>, vector<16xf32>,
    %get3A_104 = arith.constant 304 : index
    %get3A_105 = tpu.vector_load %arg10[%get3A_104] {strides = array<i32>} : memref<528xf32, #tpu.memory_space<vmem>>, vector<16xf32>,
    %get3A_106 = arith.constant 320 : index
    %get3A_107 = tpu.vector_load %arg10[%get3A_106] {strides = array<i32>} : memref<528xf32, #tpu.memory_space<vmem>>, vector<16xf32>,
    %get3A_108 = arith.constant 336 : index
    %get3A_109 = tpu.vector_load %arg10[%get3A_108] {strides = array<i32>} : memref<528xf32, #tpu.memory_space<vmem>>, vector<16xf32>,
    %get3A_110 = arith.constant 352 : index
    %get3A_111 = tpu.vector_load %arg10[%get3A_110] {strides = array<i32>} : memref<528xf32, #tpu.memory_space<vmem>>, vector<16xf32>,
    %get3A_112 = arith.constant 368 : index
    %get3A_113 = tpu.vector_load %arg10[%get3A_112] {strides = array<i32>} : memref<528xf32, #tpu.memory_space<vmem>>, vector<16xf32>,
    %get3A_114 = arith.constant 384 : index
    %get3A_115 = tpu.vector_load %arg10[%get3A_114] {strides = array<i32>} : memref<528xf32, #tpu.memory_space<vmem>>, vector<16xf32>,
    %get3A_116 = arith.constant 400 : index
    %get3A_117 = tpu.vector_load %arg10[%get3A_116] {strides = array<i32>} : memref<528xf32, #tpu.memory_space<vmem>>, vector<16xf32>,
    %get3A_118 = arith.constant 416 : index
    %get3A_119 = tpu.vector_load %arg10[%get3A_118] {strides = array<i32>} : memref<528xf32, #tpu.memory_space<vmem>>, vector<16xf32>,
    %get3A_120 = arith.constant 432 : index
    %get3A_121 = tpu.vector_load %arg10[%get3A_120] {strides = array<i32>} : memref<528xf32, #tpu.memory_space<vmem>>, vector<16xf32>,
    %get3A_122 = arith.constant 448 : index
    %get3A_123 = tpu.vector_load %arg10[%get3A_122] {strides = array<i32>} : memref<528xf32, #tpu.memory_space<vmem>>, vector<16xf32>,
    %get3A_124 = arith.constant 464 : index
    %get3A_125 = tpu.vector_load %arg10[%get3A_124] {strides = array<i32>} : memref<528xf32, #tpu.memory_space<vmem>>, vector<16xf32>,
    %get3A_126 = arith.constant 480 : index
    %get3A_127 = tpu.vector_load %arg10[%get3A_126] {strides = array<i32>} : memref<528xf32, #tpu.memory_space<vmem>>, vector<16xf32>,
    %get3A_128 = arith.constant 496 : index
    %get3A_129 = tpu.vector_load %arg10[%get3A_128] {strides = array<i32>} : memref<528xf32, #tpu.memory_space<vmem>>, vector<16xf32>,
    %get3A_130 = arith.constant 512 : index
    %get3A_131 = tpu.vector_load %arg10[%get3A_130] {strides = array<i32>} : memref<528xf32, #tpu.memory_space<vmem>>, vector<16xf32>,
    %iota3A = tpu.iota {dimensions = array<i32: 0>} : vector<16xi32>
    %scan3A = arith.constant 0 : i32
    %scan3A_132 = arith.constant 32 : i32
    %scan3A_133 = arith.addi %scan3A, %scan3A_132 : i32
    %scan3A_134 = arith.constant 1 : i32
    scf.for %scan3A_136 = %scan3A to %scan3A_133 step %scan3A_134  : i32 {
      %mul3A_137 = arith.constant 16 : i32
      %mul3A_138 = arith.muli %scan3A_136, %mul3A_137 : i32
      %add3A_139 = vector.broadcast %mul3A_138 : i32 to vector<16xi32>
      %add3A_140 = arith.addi %add3A_139, %iota3A : vector<16xi32>
      %broadcast_in_dim3A = arith.constant 0 : i32
      %broadcast_in_dim3A_141 = vector.broadcast %broadcast_in_dim3A : i32 to vector<16xi32>
      %mul3A_142 = arith.constant 32 : i32
      %mul3A_143 = vector.broadcast %mul3A_142 : i32 to vector<16xi32>
      %mul3A_144 = arith.muli %add3A_140, %mul3A_143 : vector<16xi32>
      %add3A_145 = arith.addi %mul3A_144, %broadcast_in_dim3A_141 : vector<16xi32>
      %gather3A = tpu.vector_load_idx %arg9[%add3A_145] : memref<16384xf32, #tpu.memory_space<vmem>>[vector<16xi32>], vector<16xf32>,
      %gather3A_146 = tpu.vector_load_idx %arg8[%add3A_140, %broadcast_in_dim3A_141] : memref<512x32xf32, #tpu.memory_space<vmem>>[vector<16xi32>, vector<16xi32>], vector<16xf32>,
      %mul3A_147 = arith.mulf %gather3A, %gather3A_146 : vector<16xf32>
      %mul3A_148 = arith.mulf %mul3A_147, %get3A_67 : vector<16xf32>
      %add3A_149 = arith.addf %get3A_131, %mul3A_148 : vector<16xf32>
      %broadcast_in_dim3A_150 = arith.constant 1 : i32
      %broadcast_in_dim3A_151 = vector.broadcast %broadcast_in_dim3A_150 : i32 to vector<16xi32>
      %mul3A_152 = arith.constant 32 : i32
      %mul3A_153 = vector.broadcast %mul3A_152 : i32 to vector<16xi32>
      %mul3A_154 = arith.muli %add3A_140, %mul3A_153 : vector<16xi32>
      %add3A_155 = arith.addi %mul3A_154, %broadcast_in_dim3A_151 : vector<16xi32>
      %gather3A_156 = tpu.vector_load_idx %arg9[%add3A_155] : memref<16384xf32, #tpu.memory_space<vmem>>[vector<16xi32>], vector<16xf32>,
      %gather3A_157 = tpu.vector_load_idx %arg8[%add3A_140, %broadcast_in_dim3A_151] : memref<512x32xf32, #tpu.memory_space<vmem>>[vector<16xi32>, vector<16xi32>], vector<16xf32>,
      %mul3A_158 = arith.mulf %gather3A_156, %gather3A_157 : vector<16xf32>
      %mul3A_159 = arith.mulf %mul3A_158, %get3A_69 : vector<16xf32>
      %add3A_160 = arith.addf %add3A_149, %mul3A_159 : vector<16xf32>
      %broadcast_in_dim3A_161 = arith.constant 2 : i32
      %broadcast_in_dim3A_162 = vector.broadcast %broadcast_in_dim3A_161 : i32 to vector<16xi32>
      %mul3A_163 = arith.constant 32 : i32
      %mul3A_164 = vector.broadcast %mul3A_163 : i32 to vector<16xi32>
      %mul3A_165 = arith.muli %add3A_140, %mul3A_164 : vector<16xi32>
      %add3A_166 = arith.addi %mul3A_165, %broadcast_in_dim3A_162 : vector<16xi32>
      %gather3A_167 = tpu.vector_load_idx %arg9[%add3A_166] : memref<16384xf32, #tpu.memory_space<vmem>>[vector<16xi32>], vector<16xf32>,
      %gather3A_168 = tpu.vector_load_idx %arg8[%add3A_140, %broadcast_in_dim3A_162] : memref<512x32xf32, #tpu.memory_space<vmem>>[vector<16xi32>, vector<16xi32>], vector<16xf32>,
      %mul3A_169 = arith.mulf %gather3A_167, %gather3A_168 : vector<16xf32>
      %mul3A_170 = arith.mulf %mul3A_169, %get3A_71 : vector<16xf32>
      %add3A_171 = arith.addf %add3A_160, %mul3A_170 : vector<16xf32>
      %broadcast_in_dim3A_172 = arith.constant 3 : i32
      %broadcast_in_dim3A_173 = vector.broadcast %broadcast_in_dim3A_172 : i32 to vector<16xi32>
      %mul3A_174 = arith.constant 32 : i32
      %mul3A_175 = vector.broadcast %mul3A_174 : i32 to vector<16xi32>
      %mul3A_176 = arith.muli %add3A_140, %mul3A_175 : vector<16xi32>
      %add3A_177 = arith.addi %mul3A_176, %broadcast_in_dim3A_173 : vector<16xi32>
      %gather3A_178 = tpu.vector_load_idx %arg9[%add3A_177] : memref<16384xf32, #tpu.memory_space<vmem>>[vector<16xi32>], vector<16xf32>,
      %gather3A_179 = tpu.vector_load_idx %arg8[%add3A_140, %broadcast_in_dim3A_173] : memref<512x32xf32, #tpu.memory_space<vmem>>[vector<16xi32>, vector<16xi32>], vector<16xf32>,
      %mul3A_180 = arith.mulf %gather3A_178, %gather3A_179 : vector<16xf32>
      %mul3A_181 = arith.mulf %mul3A_180, %get3A_73 : vector<16xf32>
      %add3A_182 = arith.addf %add3A_171, %mul3A_181 : vector<16xf32>
      %broadcast_in_dim3A_183 = arith.constant 4 : i32
      %broadcast_in_dim3A_184 = vector.broadcast %broadcast_in_dim3A_183 : i32 to vector<16xi32>
      %mul3A_185 = arith.constant 32 : i32
      %mul3A_186 = vector.broadcast %mul3A_185 : i32 to vector<16xi32>
      %mul3A_187 = arith.muli %add3A_140, %mul3A_186 : vector<16xi32>
      %add3A_188 = arith.addi %mul3A_187, %broadcast_in_dim3A_184 : vector<16xi32>
      %gather3A_189 = tpu.vector_load_idx %arg9[%add3A_188] : memref<16384xf32, #tpu.memory_space<vmem>>[vector<16xi32>], vector<16xf32>,
      %gather3A_190 = tpu.vector_load_idx %arg8[%add3A_140, %broadcast_in_dim3A_184] : memref<512x32xf32, #tpu.memory_space<vmem>>[vector<16xi32>, vector<16xi32>], vector<16xf32>,
      %mul3A_191 = arith.mulf %gather3A_189, %gather3A_190 : vector<16xf32>
      %mul3A_192 = arith.mulf %mul3A_191, %get3A_75 : vector<16xf32>
      %add3A_193 = arith.addf %add3A_182, %mul3A_192 : vector<16xf32>
      %broadcast_in_dim3A_194 = arith.constant 5 : i32
      %broadcast_in_dim3A_195 = vector.broadcast %broadcast_in_dim3A_194 : i32 to vector<16xi32>
      %mul3A_196 = arith.constant 32 : i32
      %mul3A_197 = vector.broadcast %mul3A_196 : i32 to vector<16xi32>
      %mul3A_198 = arith.muli %add3A_140, %mul3A_197 : vector<16xi32>
      %add3A_199 = arith.addi %mul3A_198, %broadcast_in_dim3A_195 : vector<16xi32>
      %gather3A_200 = tpu.vector_load_idx %arg9[%add3A_199] : memref<16384xf32, #tpu.memory_space<vmem>>[vector<16xi32>], vector<16xf32>,
      %gather3A_201 = tpu.vector_load_idx %arg8[%add3A_140, %broadcast_in_dim3A_195] : memref<512x32xf32, #tpu.memory_space<vmem>>[vector<16xi32>, vector<16xi32>], vector<16xf32>,
      %mul3A_202 = arith.mulf %gather3A_200, %gather3A_201 : vector<16xf32>
      %mul3A_203 = arith.mulf %mul3A_202, %get3A_77 : vector<16xf32>
      %add3A_204 = arith.addf %add3A_193, %mul3A_203 : vector<16xf32>
      %broadcast_in_dim3A_205 = arith.constant 6 : i32
      %broadcast_in_dim3A_206 = vector.broadcast %broadcast_in_dim3A_205 : i32 to vector<16xi32>
      %mul3A_207 = arith.constant 32 : i32
      %mul3A_208 = vector.broadcast %mul3A_207 : i32 to vector<16xi32>
      %mul3A_209 = arith.muli %add3A_140, %mul3A_208 : vector<16xi32>
      %add3A_210 = arith.addi %mul3A_209, %broadcast_in_dim3A_206 : vector<16xi32>
      %gather3A_211 = tpu.vector_load_idx %arg9[%add3A_210] : memref<16384xf32, #tpu.memory_space<vmem>>[vector<16xi32>], vector<16xf32>,
      %gather3A_212 = tpu.vector_load_idx %arg8[%add3A_140, %broadcast_in_dim3A_206] : memref<512x32xf32, #tpu.memory_space<vmem>>[vector<16xi32>, vector<16xi32>], vector<16xf32>,
      %mul3A_213 = arith.mulf %gather3A_211, %gather3A_212 : vector<16xf32>
      %mul3A_214 = arith.mulf %mul3A_213, %get3A_79 : vector<16xf32>
      %add3A_215 = arith.addf %add3A_204, %mul3A_214 : vector<16xf32>
      %broadcast_in_dim3A_216 = arith.constant 7 : i32
      %broadcast_in_dim3A_217 = vector.broadcast %broadcast_in_dim3A_216 : i32 to vector<16xi32>
      %mul3A_218 = arith.constant 32 : i32
      %mul3A_219 = vector.broadcast %mul3A_218 : i32 to vector<16xi32>
      %mul3A_220 = arith.muli %add3A_140, %mul3A_219 : vector<16xi32>
      %add3A_221 = arith.addi %mul3A_220, %broadcast_in_dim3A_217 : vector<16xi32>
      %gather3A_222 = tpu.vector_load_idx %arg9[%add3A_221] : memref<16384xf32, #tpu.memory_space<vmem>>[vector<16xi32>], vector<16xf32>,
      %gather3A_223 = tpu.vector_load_idx %arg8[%add3A_140, %broadcast_in_dim3A_217] : memref<512x32xf32, #tpu.memory_space<vmem>>[vector<16xi32>, vector<16xi32>], vector<16xf32>,
      %mul3A_224 = arith.mulf %gather3A_222, %gather3A_223 : vector<16xf32>
      %mul3A_225 = arith.mulf %mul3A_224, %get3A_81 : vector<16xf32>
      %add3A_226 = arith.addf %add3A_215, %mul3A_225 : vector<16xf32>
      %broadcast_in_dim3A_227 = arith.constant 8 : i32
      %broadcast_in_dim3A_228 = vector.broadcast %broadcast_in_dim3A_227 : i32 to vector<16xi32>
      %mul3A_229 = arith.constant 32 : i32
      %mul3A_230 = vector.broadcast %mul3A_229 : i32 to vector<16xi32>
      %mul3A_231 = arith.muli %add3A_140, %mul3A_230 : vector<16xi32>
      %add3A_232 = arith.addi %mul3A_231, %broadcast_in_dim3A_228 : vector<16xi32>
      %gather3A_233 = tpu.vector_load_idx %arg9[%add3A_232] : memref<16384xf32, #tpu.memory_space<vmem>>[vector<16xi32>], vector<16xf32>,
      %gather3A_234 = tpu.vector_load_idx %arg8[%add3A_140, %broadcast_in_dim3A_228] : memref<512x32xf32, #tpu.memory_space<vmem>>[vector<16xi32>, vector<16xi32>], vector<16xf32>,
      %mul3A_235 = arith.mulf %gather3A_233, %gather3A_234 : vector<16xf32>
      %mul3A_236 = arith.mulf %mul3A_235, %get3A_83 : vector<16xf32>
      %add3A_237 = arith.addf %add3A_226, %mul3A_236 : vector<16xf32>
      %broadcast_in_dim3A_238 = arith.constant 9 : i32
      %broadcast_in_dim3A_239 = vector.broadcast %broadcast_in_dim3A_238 : i32 to vector<16xi32>
      %mul3A_240 = arith.constant 32 : i32
      %mul3A_241 = vector.broadcast %mul3A_240 : i32 to vector<16xi32>
      %mul3A_242 = arith.muli %add3A_140, %mul3A_241 : vector<16xi32>
      %add3A_243 = arith.addi %mul3A_242, %broadcast_in_dim3A_239 : vector<16xi32>
      %gather3A_244 = tpu.vector_load_idx %arg9[%add3A_243] : memref<16384xf32, #tpu.memory_space<vmem>>[vector<16xi32>], vector<16xf32>,
      %gather3A_245 = tpu.vector_load_idx %arg8[%add3A_140, %broadcast_in_dim3A_239] : memref<512x32xf32, #tpu.memory_space<vmem>>[vector<16xi32>, vector<16xi32>], vector<16xf32>,
      %mul3A_246 = arith.mulf %gather3A_244, %gather3A_245 : vector<16xf32>
      %mul3A_247 = arith.mulf %mul3A_246, %get3A_85 : vector<16xf32>
      %add3A_248 = arith.addf %add3A_237, %mul3A_247 : vector<16xf32>
      %broadcast_in_dim3A_249 = arith.constant 10 : i32
      %broadcast_in_dim3A_250 = vector.broadcast %broadcast_in_dim3A_249 : i32 to vector<16xi32>
      %mul3A_251 = arith.constant 32 : i32
      %mul3A_252 = vector.broadcast %mul3A_251 : i32 to vector<16xi32>
      %mul3A_253 = arith.muli %add3A_140, %mul3A_252 : vector<16xi32>
      %add3A_254 = arith.addi %mul3A_253, %broadcast_in_dim3A_250 : vector<16xi32>
      %gather3A_255 = tpu.vector_load_idx %arg9[%add3A_254] : memref<16384xf32, #tpu.memory_space<vmem>>[vector<16xi32>], vector<16xf32>,
      %gather3A_256 = tpu.vector_load_idx %arg8[%add3A_140, %broadcast_in_dim3A_250] : memref<512x32xf32, #tpu.memory_space<vmem>>[vector<16xi32>, vector<16xi32>], vector<16xf32>,
      %mul3A_257 = arith.mulf %gather3A_255, %gather3A_256 : vector<16xf32>
      %mul3A_258 = arith.mulf %mul3A_257, %get3A_87 : vector<16xf32>
      %add3A_259 = arith.addf %add3A_248, %mul3A_258 : vector<16xf32>
      %broadcast_in_dim3A_260 = arith.constant 11 : i32
      %broadcast_in_dim3A_261 = vector.broadcast %broadcast_in_dim3A_260 : i32 to vector<16xi32>
      %mul3A_262 = arith.constant 32 : i32
      %mul3A_263 = vector.broadcast %mul3A_262 : i32 to vector<16xi32>
      %mul3A_264 = arith.muli %add3A_140, %mul3A_263 : vector<16xi32>
      %add3A_265 = arith.addi %mul3A_264, %broadcast_in_dim3A_261 : vector<16xi32>
      %gather3A_266 = tpu.vector_load_idx %arg9[%add3A_265] : memref<16384xf32, #tpu.memory_space<vmem>>[vector<16xi32>], vector<16xf32>,
      %gather3A_267 = tpu.vector_load_idx %arg8[%add3A_140, %broadcast_in_dim3A_261] : memref<512x32xf32, #tpu.memory_space<vmem>>[vector<16xi32>, vector<16xi32>], vector<16xf32>,
      %mul3A_268 = arith.mulf %gather3A_266, %gather3A_267 : vector<16xf32>
      %mul3A_269 = arith.mulf %mul3A_268, %get3A_89 : vector<16xf32>
      %add3A_270 = arith.addf %add3A_259, %mul3A_269 : vector<16xf32>
      %broadcast_in_dim3A_271 = arith.constant 12 : i32
      %broadcast_in_dim3A_272 = vector.broadcast %broadcast_in_dim3A_271 : i32 to vector<16xi32>
      %mul3A_273 = arith.constant 32 : i32
      %mul3A_274 = vector.broadcast %mul3A_273 : i32 to vector<16xi32>
      %mul3A_275 = arith.muli %add3A_140, %mul3A_274 : vector<16xi32>
      %add3A_276 = arith.addi %mul3A_275, %broadcast_in_dim3A_272 : vector<16xi32>
      %gather3A_277 = tpu.vector_load_idx %arg9[%add3A_276] : memref<16384xf32, #tpu.memory_space<vmem>>[vector<16xi32>], vector<16xf32>,
      %gather3A_278 = tpu.vector_load_idx %arg8[%add3A_140, %broadcast_in_dim3A_272] : memref<512x32xf32, #tpu.memory_space<vmem>>[vector<16xi32>, vector<16xi32>], vector<16xf32>,
      %mul3A_279 = arith.mulf %gather3A_277, %gather3A_278 : vector<16xf32>
      %mul3A_280 = arith.mulf %mul3A_279, %get3A_91 : vector<16xf32>
      %add3A_281 = arith.addf %add3A_270, %mul3A_280 : vector<16xf32>
      %broadcast_in_dim3A_282 = arith.constant 13 : i32
      %broadcast_in_dim3A_283 = vector.broadcast %broadcast_in_dim3A_282 : i32 to vector<16xi32>
      %mul3A_284 = arith.constant 32 : i32
      %mul3A_285 = vector.broadcast %mul3A_284 : i32 to vector<16xi32>
      %mul3A_286 = arith.muli %add3A_140, %mul3A_285 : vector<16xi32>
      %add3A_287 = arith.addi %mul3A_286, %broadcast_in_dim3A_283 : vector<16xi32>
      %gather3A_288 = tpu.vector_load_idx %arg9[%add3A_287] : memref<16384xf32, #tpu.memory_space<vmem>>[vector<16xi32>], vector<16xf32>,
      %gather3A_289 = tpu.vector_load_idx %arg8[%add3A_140, %broadcast_in_dim3A_283] : memref<512x32xf32, #tpu.memory_space<vmem>>[vector<16xi32>, vector<16xi32>], vector<16xf32>,
      %mul3A_290 = arith.mulf %gather3A_288, %gather3A_289 : vector<16xf32>
      %mul3A_291 = arith.mulf %mul3A_290, %get3A_93 : vector<16xf32>
      %add3A_292 = arith.addf %add3A_281, %mul3A_291 : vector<16xf32>
      %broadcast_in_dim3A_293 = arith.constant 14 : i32
      %broadcast_in_dim3A_294 = vector.broadcast %broadcast_in_dim3A_293 : i32 to vector<16xi32>
      %mul3A_295 = arith.constant 32 : i32
      %mul3A_296 = vector.broadcast %mul3A_295 : i32 to vector<16xi32>
      %mul3A_297 = arith.muli %add3A_140, %mul3A_296 : vector<16xi32>
      %add3A_298 = arith.addi %mul3A_297, %broadcast_in_dim3A_294 : vector<16xi32>
      %gather3A_299 = tpu.vector_load_idx %arg9[%add3A_298] : memref<16384xf32, #tpu.memory_space<vmem>>[vector<16xi32>], vector<16xf32>,
      %gather3A_300 = tpu.vector_load_idx %arg8[%add3A_140, %broadcast_in_dim3A_294] : memref<512x32xf32, #tpu.memory_space<vmem>>[vector<16xi32>, vector<16xi32>], vector<16xf32>,
      %mul3A_301 = arith.mulf %gather3A_299, %gather3A_300 : vector<16xf32>
      %mul3A_302 = arith.mulf %mul3A_301, %get3A_95 : vector<16xf32>
      %add3A_303 = arith.addf %add3A_292, %mul3A_302 : vector<16xf32>
      %broadcast_in_dim3A_304 = arith.constant 15 : i32
      %broadcast_in_dim3A_305 = vector.broadcast %broadcast_in_dim3A_304 : i32 to vector<16xi32>
      %mul3A_306 = arith.constant 32 : i32
      %mul3A_307 = vector.broadcast %mul3A_306 : i32 to vector<16xi32>
      %mul3A_308 = arith.muli %add3A_140, %mul3A_307 : vector<16xi32>
      %add3A_309 = arith.addi %mul3A_308, %broadcast_in_dim3A_305 : vector<16xi32>
      %gather3A_310 = tpu.vector_load_idx %arg9[%add3A_309] : memref<16384xf32, #tpu.memory_space<vmem>>[vector<16xi32>], vector<16xf32>,
      %gather3A_311 = tpu.vector_load_idx %arg8[%add3A_140, %broadcast_in_dim3A_305] : memref<512x32xf32, #tpu.memory_space<vmem>>[vector<16xi32>, vector<16xi32>], vector<16xf32>,
      %mul3A_312 = arith.mulf %gather3A_310, %gather3A_311 : vector<16xf32>
      %mul3A_313 = arith.mulf %mul3A_312, %get3A_97 : vector<16xf32>
      %add3A_314 = arith.addf %add3A_303, %mul3A_313 : vector<16xf32>
      %broadcast_in_dim3A_315 = arith.constant 16 : i32
      %broadcast_in_dim3A_316 = vector.broadcast %broadcast_in_dim3A_315 : i32 to vector<16xi32>
      %mul3A_317 = arith.constant 32 : i32
      %mul3A_318 = vector.broadcast %mul3A_317 : i32 to vector<16xi32>
      %mul3A_319 = arith.muli %add3A_140, %mul3A_318 : vector<16xi32>
      %add3A_320 = arith.addi %mul3A_319, %broadcast_in_dim3A_316 : vector<16xi32>
      %gather3A_321 = tpu.vector_load_idx %arg9[%add3A_320] : memref<16384xf32, #tpu.memory_space<vmem>>[vector<16xi32>], vector<16xf32>,
      %gather3A_322 = tpu.vector_load_idx %arg8[%add3A_140, %broadcast_in_dim3A_316] : memref<512x32xf32, #tpu.memory_space<vmem>>[vector<16xi32>, vector<16xi32>], vector<16xf32>,
      %mul3A_323 = arith.mulf %gather3A_321, %gather3A_322 : vector<16xf32>
      %mul3A_324 = arith.mulf %mul3A_323, %get3A_99 : vector<16xf32>
      %add3A_325 = arith.addf %add3A_314, %mul3A_324 : vector<16xf32>
      %broadcast_in_dim3A_326 = arith.constant 17 : i32
      %broadcast_in_dim3A_327 = vector.broadcast %broadcast_in_dim3A_326 : i32 to vector<16xi32>
      %mul3A_328 = arith.constant 32 : i32
      %mul3A_329 = vector.broadcast %mul3A_328 : i32 to vector<16xi32>
      %mul3A_330 = arith.muli %add3A_140, %mul3A_329 : vector<16xi32>
      %add3A_331 = arith.addi %mul3A_330, %broadcast_in_dim3A_327 : vector<16xi32>
      %gather3A_332 = tpu.vector_load_idx %arg9[%add3A_331] : memref<16384xf32, #tpu.memory_space<vmem>>[vector<16xi32>], vector<16xf32>,
      %gather3A_333 = tpu.vector_load_idx %arg8[%add3A_140, %broadcast_in_dim3A_327] : memref<512x32xf32, #tpu.memory_space<vmem>>[vector<16xi32>, vector<16xi32>], vector<16xf32>,
      %mul3A_334 = arith.mulf %gather3A_332, %gather3A_333 : vector<16xf32>
      %mul3A_335 = arith.mulf %mul3A_334, %get3A_101 : vector<16xf32>
      %add3A_336 = arith.addf %add3A_325, %mul3A_335 : vector<16xf32>
      %broadcast_in_dim3A_337 = arith.constant 18 : i32
      %broadcast_in_dim3A_338 = vector.broadcast %broadcast_in_dim3A_337 : i32 to vector<16xi32>
      %mul3A_339 = arith.constant 32 : i32
      %mul3A_340 = vector.broadcast %mul3A_339 : i32 to vector<16xi32>
      %mul3A_341 = arith.muli %add3A_140, %mul3A_340 : vector<16xi32>
      %add3A_342 = arith.addi %mul3A_341, %broadcast_in_dim3A_338 : vector<16xi32>
      %gather3A_343 = tpu.vector_load_idx %arg9[%add3A_342] : memref<16384xf32, #tpu.memory_space<vmem>>[vector<16xi32>], vector<16xf32>,
      %gather3A_344 = tpu.vector_load_idx %arg8[%add3A_140, %broadcast_in_dim3A_338] : memref<512x32xf32, #tpu.memory_space<vmem>>[vector<16xi32>, vector<16xi32>], vector<16xf32>,
      %mul3A_345 = arith.mulf %gather3A_343, %gather3A_344 : vector<16xf32>
      %mul3A_346 = arith.mulf %mul3A_345, %get3A_103 : vector<16xf32>
      %add3A_347 = arith.addf %add3A_336, %mul3A_346 : vector<16xf32>
      %broadcast_in_dim3A_348 = arith.constant 19 : i32
      %broadcast_in_dim3A_349 = vector.broadcast %broadcast_in_dim3A_348 : i32 to vector<16xi32>
      %mul3A_350 = arith.constant 32 : i32
      %mul3A_351 = vector.broadcast %mul3A_350 : i32 to vector<16xi32>
      %mul3A_352 = arith.muli %add3A_140, %mul3A_351 : vector<16xi32>
      %add3A_353 = arith.addi %mul3A_352, %broadcast_in_dim3A_349 : vector<16xi32>
      %gather3A_354 = tpu.vector_load_idx %arg9[%add3A_353] : memref<16384xf32, #tpu.memory_space<vmem>>[vector<16xi32>], vector<16xf32>,
      %gather3A_355 = tpu.vector_load_idx %arg8[%add3A_140, %broadcast_in_dim3A_349] : memref<512x32xf32, #tpu.memory_space<vmem>>[vector<16xi32>, vector<16xi32>], vector<16xf32>,
      %mul3A_356 = arith.mulf %gather3A_354, %gather3A_355 : vector<16xf32>
      %mul3A_357 = arith.mulf %mul3A_356, %get3A_105 : vector<16xf32>
      %add3A_358 = arith.addf %add3A_347, %mul3A_357 : vector<16xf32>
      %broadcast_in_dim3A_359 = arith.constant 20 : i32
      %broadcast_in_dim3A_360 = vector.broadcast %broadcast_in_dim3A_359 : i32 to vector<16xi32>
      %mul3A_361 = arith.constant 32 : i32
      %mul3A_362 = vector.broadcast %mul3A_361 : i32 to vector<16xi32>
      %mul3A_363 = arith.muli %add3A_140, %mul3A_362 : vector<16xi32>
      %add3A_364 = arith.addi %mul3A_363, %broadcast_in_dim3A_360 : vector<16xi32>
      %gather3A_365 = tpu.vector_load_idx %arg9[%add3A_364] : memref<16384xf32, #tpu.memory_space<vmem>>[vector<16xi32>], vector<16xf32>,
      %gather3A_366 = tpu.vector_load_idx %arg8[%add3A_140, %broadcast_in_dim3A_360] : memref<512x32xf32, #tpu.memory_space<vmem>>[vector<16xi32>, vector<16xi32>], vector<16xf32>,
      %mul3A_367 = arith.mulf %gather3A_365, %gather3A_366 : vector<16xf32>
      %mul3A_368 = arith.mulf %mul3A_367, %get3A_107 : vector<16xf32>
      %add3A_369 = arith.addf %add3A_358, %mul3A_368 : vector<16xf32>
      %broadcast_in_dim3A_370 = arith.constant 21 : i32
      %broadcast_in_dim3A_371 = vector.broadcast %broadcast_in_dim3A_370 : i32 to vector<16xi32>
      %mul3A_372 = arith.constant 32 : i32
      %mul3A_373 = vector.broadcast %mul3A_372 : i32 to vector<16xi32>
      %mul3A_374 = arith.muli %add3A_140, %mul3A_373 : vector<16xi32>
      %add3A_375 = arith.addi %mul3A_374, %broadcast_in_dim3A_371 : vector<16xi32>
      %gather3A_376 = tpu.vector_load_idx %arg9[%add3A_375] : memref<16384xf32, #tpu.memory_space<vmem>>[vector<16xi32>], vector<16xf32>,
      %gather3A_377 = tpu.vector_load_idx %arg8[%add3A_140, %broadcast_in_dim3A_371] : memref<512x32xf32, #tpu.memory_space<vmem>>[vector<16xi32>, vector<16xi32>], vector<16xf32>,
      %mul3A_378 = arith.mulf %gather3A_376, %gather3A_377 : vector<16xf32>
      %mul3A_379 = arith.mulf %mul3A_378, %get3A_109 : vector<16xf32>
      %add3A_380 = arith.addf %add3A_369, %mul3A_379 : vector<16xf32>
      %broadcast_in_dim3A_381 = arith.constant 22 : i32
      %broadcast_in_dim3A_382 = vector.broadcast %broadcast_in_dim3A_381 : i32 to vector<16xi32>
      %mul3A_383 = arith.constant 32 : i32
      %mul3A_384 = vector.broadcast %mul3A_383 : i32 to vector<16xi32>
      %mul3A_385 = arith.muli %add3A_140, %mul3A_384 : vector<16xi32>
      %add3A_386 = arith.addi %mul3A_385, %broadcast_in_dim3A_382 : vector<16xi32>
      %gather3A_387 = tpu.vector_load_idx %arg9[%add3A_386] : memref<16384xf32, #tpu.memory_space<vmem>>[vector<16xi32>], vector<16xf32>,
      %gather3A_388 = tpu.vector_load_idx %arg8[%add3A_140, %broadcast_in_dim3A_382] : memref<512x32xf32, #tpu.memory_space<vmem>>[vector<16xi32>, vector<16xi32>], vector<16xf32>,
      %mul3A_389 = arith.mulf %gather3A_387, %gather3A_388 : vector<16xf32>
      %mul3A_390 = arith.mulf %mul3A_389, %get3A_111 : vector<16xf32>
      %add3A_391 = arith.addf %add3A_380, %mul3A_390 : vector<16xf32>
      %broadcast_in_dim3A_392 = arith.constant 23 : i32
      %broadcast_in_dim3A_393 = vector.broadcast %broadcast_in_dim3A_392 : i32 to vector<16xi32>
      %mul3A_394 = arith.constant 32 : i32
      %mul3A_395 = vector.broadcast %mul3A_394 : i32 to vector<16xi32>
      %mul3A_396 = arith.muli %add3A_140, %mul3A_395 : vector<16xi32>
      %add3A_397 = arith.addi %mul3A_396, %broadcast_in_dim3A_393 : vector<16xi32>
      %gather3A_398 = tpu.vector_load_idx %arg9[%add3A_397] : memref<16384xf32, #tpu.memory_space<vmem>>[vector<16xi32>], vector<16xf32>,
      %gather3A_399 = tpu.vector_load_idx %arg8[%add3A_140, %broadcast_in_dim3A_393] : memref<512x32xf32, #tpu.memory_space<vmem>>[vector<16xi32>, vector<16xi32>], vector<16xf32>,
      %mul3A_400 = arith.mulf %gather3A_398, %gather3A_399 : vector<16xf32>
      %mul3A_401 = arith.mulf %mul3A_400, %get3A_113 : vector<16xf32>
      %add3A_402 = arith.addf %add3A_391, %mul3A_401 : vector<16xf32>
      %broadcast_in_dim3A_403 = arith.constant 24 : i32
      %broadcast_in_dim3A_404 = vector.broadcast %broadcast_in_dim3A_403 : i32 to vector<16xi32>
      %mul3A_405 = arith.constant 32 : i32
      %mul3A_406 = vector.broadcast %mul3A_405 : i32 to vector<16xi32>
      %mul3A_407 = arith.muli %add3A_140, %mul3A_406 : vector<16xi32>
      %add3A_408 = arith.addi %mul3A_407, %broadcast_in_dim3A_404 : vector<16xi32>
      %gather3A_409 = tpu.vector_load_idx %arg9[%add3A_408] : memref<16384xf32, #tpu.memory_space<vmem>>[vector<16xi32>], vector<16xf32>,
      %gather3A_410 = tpu.vector_load_idx %arg8[%add3A_140, %broadcast_in_dim3A_404] : memref<512x32xf32, #tpu.memory_space<vmem>>[vector<16xi32>, vector<16xi32>], vector<16xf32>,
      %mul3A_411 = arith.mulf %gather3A_409, %gather3A_410 : vector<16xf32>
      %mul3A_412 = arith.mulf %mul3A_411, %get3A_115 : vector<16xf32>
      %add3A_413 = arith.addf %add3A_402, %mul3A_412 : vector<16xf32>
      %broadcast_in_dim3A_414 = arith.constant 25 : i32
      %broadcast_in_dim3A_415 = vector.broadcast %broadcast_in_dim3A_414 : i32 to vector<16xi32>
      %mul3A_416 = arith.constant 32 : i32
      %mul3A_417 = vector.broadcast %mul3A_416 : i32 to vector<16xi32>
      %mul3A_418 = arith.muli %add3A_140, %mul3A_417 : vector<16xi32>
      %add3A_419 = arith.addi %mul3A_418, %broadcast_in_dim3A_415 : vector<16xi32>
      %gather3A_420 = tpu.vector_load_idx %arg9[%add3A_419] : memref<16384xf32, #tpu.memory_space<vmem>>[vector<16xi32>], vector<16xf32>,
      %gather3A_421 = tpu.vector_load_idx %arg8[%add3A_140, %broadcast_in_dim3A_415] : memref<512x32xf32, #tpu.memory_space<vmem>>[vector<16xi32>, vector<16xi32>], vector<16xf32>,
      %mul3A_422 = arith.mulf %gather3A_420, %gather3A_421 : vector<16xf32>
      %mul3A_423 = arith.mulf %mul3A_422, %get3A_117 : vector<16xf32>
      %add3A_424 = arith.addf %add3A_413, %mul3A_423 : vector<16xf32>
      %broadcast_in_dim3A_425 = arith.constant 26 : i32
      %broadcast_in_dim3A_426 = vector.broadcast %broadcast_in_dim3A_425 : i32 to vector<16xi32>
      %mul3A_427 = arith.constant 32 : i32
      %mul3A_428 = vector.broadcast %mul3A_427 : i32 to vector<16xi32>
      %mul3A_429 = arith.muli %add3A_140, %mul3A_428 : vector<16xi32>
      %add3A_430 = arith.addi %mul3A_429, %broadcast_in_dim3A_426 : vector<16xi32>
      %gather3A_431 = tpu.vector_load_idx %arg9[%add3A_430] : memref<16384xf32, #tpu.memory_space<vmem>>[vector<16xi32>], vector<16xf32>,
      %gather3A_432 = tpu.vector_load_idx %arg8[%add3A_140, %broadcast_in_dim3A_426] : memref<512x32xf32, #tpu.memory_space<vmem>>[vector<16xi32>, vector<16xi32>], vector<16xf32>,
      %mul3A_433 = arith.mulf %gather3A_431, %gather3A_432 : vector<16xf32>
      %mul3A_434 = arith.mulf %mul3A_433, %get3A_119 : vector<16xf32>
      %add3A_435 = arith.addf %add3A_424, %mul3A_434 : vector<16xf32>
      %broadcast_in_dim3A_436 = arith.constant 27 : i32
      %broadcast_in_dim3A_437 = vector.broadcast %broadcast_in_dim3A_436 : i32 to vector<16xi32>
      %mul3A_438 = arith.constant 32 : i32
      %mul3A_439 = vector.broadcast %mul3A_438 : i32 to vector<16xi32>
      %mul3A_440 = arith.muli %add3A_140, %mul3A_439 : vector<16xi32>
      %add3A_441 = arith.addi %mul3A_440, %broadcast_in_dim3A_437 : vector<16xi32>
      %gather3A_442 = tpu.vector_load_idx %arg9[%add3A_441] : memref<16384xf32, #tpu.memory_space<vmem>>[vector<16xi32>], vector<16xf32>,
      %gather3A_443 = tpu.vector_load_idx %arg8[%add3A_140, %broadcast_in_dim3A_437] : memref<512x32xf32, #tpu.memory_space<vmem>>[vector<16xi32>, vector<16xi32>], vector<16xf32>,
      %mul3A_444 = arith.mulf %gather3A_442, %gather3A_443 : vector<16xf32>
      %mul3A_445 = arith.mulf %mul3A_444, %get3A_121 : vector<16xf32>
      %add3A_446 = arith.addf %add3A_435, %mul3A_445 : vector<16xf32>
      %broadcast_in_dim3A_447 = arith.constant 28 : i32
      %broadcast_in_dim3A_448 = vector.broadcast %broadcast_in_dim3A_447 : i32 to vector<16xi32>
      %mul3A_449 = arith.constant 32 : i32
      %mul3A_450 = vector.broadcast %mul3A_449 : i32 to vector<16xi32>
      %mul3A_451 = arith.muli %add3A_140, %mul3A_450 : vector<16xi32>
      %add3A_452 = arith.addi %mul3A_451, %broadcast_in_dim3A_448 : vector<16xi32>
      %gather3A_453 = tpu.vector_load_idx %arg9[%add3A_452] : memref<16384xf32, #tpu.memory_space<vmem>>[vector<16xi32>], vector<16xf32>,
      %gather3A_454 = tpu.vector_load_idx %arg8[%add3A_140, %broadcast_in_dim3A_448] : memref<512x32xf32, #tpu.memory_space<vmem>>[vector<16xi32>, vector<16xi32>], vector<16xf32>,
      %mul3A_455 = arith.mulf %gather3A_453, %gather3A_454 : vector<16xf32>
      %mul3A_456 = arith.mulf %mul3A_455, %get3A_123 : vector<16xf32>
      %add3A_457 = arith.addf %add3A_446, %mul3A_456 : vector<16xf32>
      %broadcast_in_dim3A_458 = arith.constant 29 : i32
      %broadcast_in_dim3A_459 = vector.broadcast %broadcast_in_dim3A_458 : i32 to vector<16xi32>
      %mul3A_460 = arith.constant 32 : i32
      %mul3A_461 = vector.broadcast %mul3A_460 : i32 to vector<16xi32>
      %mul3A_462 = arith.muli %add3A_140, %mul3A_461 : vector<16xi32>
      %add3A_463 = arith.addi %mul3A_462, %broadcast_in_dim3A_459 : vector<16xi32>
      %gather3A_464 = tpu.vector_load_idx %arg9[%add3A_463] : memref<16384xf32, #tpu.memory_space<vmem>>[vector<16xi32>], vector<16xf32>,
      %gather3A_465 = tpu.vector_load_idx %arg8[%add3A_140, %broadcast_in_dim3A_459] : memref<512x32xf32, #tpu.memory_space<vmem>>[vector<16xi32>, vector<16xi32>], vector<16xf32>,
      %mul3A_466 = arith.mulf %gather3A_464, %gather3A_465 : vector<16xf32>
      %mul3A_467 = arith.mulf %mul3A_466, %get3A_125 : vector<16xf32>
      %add3A_468 = arith.addf %add3A_457, %mul3A_467 : vector<16xf32>
      %broadcast_in_dim3A_469 = arith.constant 30 : i32
      %broadcast_in_dim3A_470 = vector.broadcast %broadcast_in_dim3A_469 : i32 to vector<16xi32>
      %mul3A_471 = arith.constant 32 : i32
      %mul3A_472 = vector.broadcast %mul3A_471 : i32 to vector<16xi32>
      %mul3A_473 = arith.muli %add3A_140, %mul3A_472 : vector<16xi32>
      %add3A_474 = arith.addi %mul3A_473, %broadcast_in_dim3A_470 : vector<16xi32>
      %gather3A_475 = tpu.vector_load_idx %arg9[%add3A_474] : memref<16384xf32, #tpu.memory_space<vmem>>[vector<16xi32>], vector<16xf32>,
      %gather3A_476 = tpu.vector_load_idx %arg8[%add3A_140, %broadcast_in_dim3A_470] : memref<512x32xf32, #tpu.memory_space<vmem>>[vector<16xi32>, vector<16xi32>], vector<16xf32>,
      %mul3A_477 = arith.mulf %gather3A_475, %gather3A_476 : vector<16xf32>
      %mul3A_478 = arith.mulf %mul3A_477, %get3A_127 : vector<16xf32>
      %add3A_479 = arith.addf %add3A_468, %mul3A_478 : vector<16xf32>
      %broadcast_in_dim3A_480 = arith.constant 31 : i32
      %broadcast_in_dim3A_481 = vector.broadcast %broadcast_in_dim3A_480 : i32 to vector<16xi32>
      %mul3A_482 = arith.constant 32 : i32
      %mul3A_483 = vector.broadcast %mul3A_482 : i32 to vector<16xi32>
      %mul3A_484 = arith.muli %add3A_140, %mul3A_483 : vector<16xi32>
      %add3A_485 = arith.addi %mul3A_484, %broadcast_in_dim3A_481 : vector<16xi32>
      %gather3A_486 = tpu.vector_load_idx %arg9[%add3A_485] : memref<16384xf32, #tpu.memory_space<vmem>>[vector<16xi32>], vector<16xf32>,
      %gather3A_487 = tpu.vector_load_idx %arg8[%add3A_140, %broadcast_in_dim3A_481] : memref<512x32xf32, #tpu.memory_space<vmem>>[vector<16xi32>, vector<16xi32>], vector<16xf32>,
      %mul3A_488 = arith.mulf %gather3A_486, %gather3A_487 : vector<16xf32>
      %mul3A_489 = arith.mulf %mul3A_488, %get3A_129 : vector<16xf32>
      %add3A_490 = arith.addf %add3A_479, %mul3A_489 : vector<16xf32>
      %mul3A_491 = arith.constant 16 : i32
      %mul3A_492 = arith.muli %scan3A_136, %mul3A_491 : i32
      %swap3A = arith.index_cast %mul3A_492 : i32 to index
      %swap3A_493 = tpu.vector_load %arg11[%swap3A] {strides = array<i32>} : memref<512xf32, #tpu.memory_space<vmem>>, vector<16xf32>,
      tpu.vector_store %arg11[%swap3A], %add3A_490 {strides = array<i32>} : memref<512xf32, #tpu.memory_space<vmem>>, vector<16xf32>,
    }
    %scan3A_135 = arith.constant 32 : i32
    "tpu.region"() ({
      %run_scoped3A = tpu.sem_alloc : memref<!tpu.dma_semaphore, #tpu.memory_space<semaphore_mem>>
      %dma_start3A_136 = tpu.memref_slice %arg6[%mul3A_2] : memref<16384xf32, #tpu.memory_space<hbm>> -> memref<512xf32, #tpu.memory_space<hbm>>
      %dma_start3A_137 = tpu.memref_slice %arg6[%mul3A_2] : memref<16384xf32, #tpu.memory_space<hbm>> -> memref<512xf32, #tpu.memory_space<hbm>>
      tpu.enqueue_dma source(%arg11 : memref<512xf32, #tpu.memory_space<vmem>>) target(%dma_start3A_137 : memref<512xf32, #tpu.memory_space<hbm>>) target_semaphore(%run_scoped3A : memref<!tpu.dma_semaphore, #tpu.memory_space<semaphore_mem>>)
      %dma_wait3A_138 = tpu.memref_slice %arg6[%mul3A_2] : memref<16384xf32, #tpu.memory_space<hbm>> -> memref<512xf32, #tpu.memory_space<hbm>>
      %dma_wait3A_139 = tpu.memref_slice %arg6[%mul3A_2] : memref<16384xf32, #tpu.memory_space<hbm>> -> memref<512xf32, #tpu.memory_space<hbm>>
      tpu.wait_dma2 semaphore(%run_scoped3A : memref<!tpu.dma_semaphore, #tpu.memory_space<semaphore_mem>>) src(%arg11 : memref<512xf32, #tpu.memory_space<vmem>>) dst(%dma_wait3A_139 : memref<512xf32, #tpu.memory_space<hbm>>)
      tpu.yield
    }) : () -> ()
    return
  }
}

#map = affine_map<(d0, d1) -> (0, 0)>
#map1 = affine_map<(d0, d1) -> (0)>
module attributes {stable_mosaic.version = 14 : i64} {
  func.func @_k1_body(%arg0: i32, %arg1: i32, %arg2: memref<32x1000000xf32, #tpu.memory_space<hbm>>, %arg3: memref<16384xi32, #tpu.memory_space<hbm>>, %arg4: memref<524288xf32, #tpu.memory_space<hbm>>, %arg5: memref<528xi32, #tpu.memory_space<vmem>>, %arg6: memref<8x32x128xf32, #tpu.memory_space<vmem>>, %arg7: memref<16384xf32, #tpu.memory_space<vmem>>, %arg8: memref<!tpu.dma_semaphore, #tpu.memory_space<semaphore_mem>>) attributes {dimension_semantics = [#tpu.dimension_semantics<core_parallel>, #tpu.dimension_semantics<subcore_parallel>], iteration_bounds = array<i64: 2, 16>, scalar_prefetch = 0 : i64, scratch_operands = 4 : i64, tpu.core_type = #tpu.core_type<sc_vector_subcore>, window_params = [{transform_indices = #map}, {transform_indices = #map1}, {transform_indices = #map1}]} {
    %mul3A = arith.constant 2 : i32
    %mul3A_0 = arith.muli %arg1, %mul3A : i32
    %add3A = arith.addi %mul3A_0, %arg0 : i32
    %mul3A_1 = arith.constant 512 : i32
    %mul3A_2 = arith.muli %add3A, %mul3A_1 : i32
    "tpu.region"() ({
      %run_scoped3A = tpu.sem_alloc : memref<!tpu.dma_semaphore, #tpu.memory_space<semaphore_mem>>
      %dma_start3A_184 = arith.constant 0 : i32
      %dma_start3A_185 = tpu.memref_slice %arg5[%dma_start3A_184] : memref<528xi32, #tpu.memory_space<vmem>> -> memref<512xi32, #tpu.memory_space<vmem>>
      %dma_start3A_186 = tpu.memref_slice %arg3[%mul3A_2] : memref<16384xi32, #tpu.memory_space<hbm>> -> memref<512xi32, #tpu.memory_space<hbm>>
      %dma_start3A_187 = arith.constant 0 : i32
      %dma_start3A_188 = tpu.memref_slice %arg5[%dma_start3A_187] : memref<528xi32, #tpu.memory_space<vmem>> -> memref<512xi32, #tpu.memory_space<vmem>>
      %dma_start3A_189 = tpu.memref_slice %arg3[%mul3A_2] : memref<16384xi32, #tpu.memory_space<hbm>> -> memref<512xi32, #tpu.memory_space<hbm>>
      tpu.enqueue_dma source(%dma_start3A_189 : memref<512xi32, #tpu.memory_space<hbm>>) target(%dma_start3A_188 : memref<512xi32, #tpu.memory_space<vmem>>) target_semaphore(%run_scoped3A : memref<!tpu.dma_semaphore, #tpu.memory_space<semaphore_mem>>)
      %dma_wait3A = arith.constant 0 : i32
      %dma_wait3A_190 = tpu.memref_slice %arg5[%dma_wait3A] : memref<528xi32, #tpu.memory_space<vmem>> -> memref<512xi32, #tpu.memory_space<vmem>>
      %dma_wait3A_191 = tpu.memref_slice %arg3[%mul3A_2] : memref<16384xi32, #tpu.memory_space<hbm>> -> memref<512xi32, #tpu.memory_space<hbm>>
      %dma_wait3A_192 = arith.constant 0 : i32
      %dma_wait3A_193 = tpu.memref_slice %arg5[%dma_wait3A_192] : memref<528xi32, #tpu.memory_space<vmem>> -> memref<512xi32, #tpu.memory_space<vmem>>
      %dma_wait3A_194 = tpu.memref_slice %arg3[%mul3A_2] : memref<16384xi32, #tpu.memory_space<hbm>> -> memref<512xi32, #tpu.memory_space<hbm>>
      tpu.wait_dma2 semaphore(%run_scoped3A : memref<!tpu.dma_semaphore, #tpu.memory_space<semaphore_mem>>) src(%dma_wait3A_194 : memref<512xi32, #tpu.memory_space<hbm>>) dst(%dma_wait3A_193 : memref<512xi32, #tpu.memory_space<vmem>>)
      tpu.yield
    }) : () -> ()
    %iota3A = tpu.iota {dimensions = array<i32: 0>} : vector<16xi32>
    %get3A = arith.constant 0 : index
    %get3A_3 = tpu.vector_load %arg5[%get3A] {strides = array<i32>} : memref<528xi32, #tpu.memory_space<vmem>>, vector<16xi32>,
    %slice3A = vector.extract_strided_slice %get3A_3 {offsets = [0], sizes = [1], strides = [1]} : vector<16xi32> to vector<1xi32>
    %squeeze3A = vector.extract %slice3A[0] : i32 from vector<1xi32>
    %shift_right_arithmetic3A = arith.constant 7 : i32
    %shift_right_arithmetic3A_4 = arith.shrsi %squeeze3A, %shift_right_arithmetic3A : i32
    %mul3A_5 = arith.constant 128 : i32
    %mul3A_6 = arith.muli %shift_right_arithmetic3A_4, %mul3A_5 : i32
    %multiple_of3A = tpu.assume_multiple %mul3A_6, 128 : i32
    %dma_start3A = arith.constant 0 : i32
    %dma_start3A_7 = arith.constant 0 : i32
    %dma_start3A_8 = arith.constant 0 : i32
    %dma_start3A_9 = tpu.memref_slice %arg6[%dma_start3A, %dma_start3A_7, %dma_start3A_8] : memref<8x32x128xf32, #tpu.memory_space<vmem>> -> memref<1x32x128xf32, #tpu.memory_space<vmem>>
    %dma_start3A_10 = tpu.memref_squeeze %dma_start3A_9 : memref<1x32x128xf32, #tpu.memory_space<vmem>> -> memref<32x128xf32, #tpu.memory_space<vmem>>
    %dma_start3A_11 = arith.constant 0 : i32
    %dma_start3A_12 = tpu.memref_slice %arg2[%dma_start3A_11, %multiple_of3A] : memref<32x1000000xf32, #tpu.memory_space<hbm>> -> memref<32x128xf32, #tpu.memory_space<hbm>>
    %dma_start3A_13 = arith.constant 0 : i32
    %dma_start3A_14 = arith.constant 0 : i32
    %dma_start3A_15 = tpu.memref_slice %arg6[%dma_start3A, %dma_start3A_13, %dma_start3A_14] : memref<8x32x128xf32, #tpu.memory_space<vmem>> -> memref<1x32x128xf32, #tpu.memory_space<vmem>>
    %dma_start3A_16 = tpu.memref_squeeze %dma_start3A_15 : memref<1x32x128xf32, #tpu.memory_space<vmem>> -> memref<32x128xf32, #tpu.memory_space<vmem>>
    %dma_start3A_17 = arith.constant 0 : i32
    %dma_start3A_18 = tpu.memref_slice %arg2[%dma_start3A_17, %multiple_of3A] : memref<32x1000000xf32, #tpu.memory_space<hbm>> -> memref<32x128xf32, #tpu.memory_space<hbm>>
    tpu.enqueue_dma source(%dma_start3A_18 : memref<32x128xf32, #tpu.memory_space<hbm>>) target(%dma_start3A_16 : memref<32x128xf32, #tpu.memory_space<vmem>>) target_semaphore(%arg8 : memref<!tpu.dma_semaphore, #tpu.memory_space<semaphore_mem>>)
    %get3A_19 = arith.constant 1 : index
    %get3A_20 = tpu.vector_load %arg5[%get3A_19] {strides = array<i32>} : memref<528xi32, #tpu.memory_space<vmem>>, vector<16xi32>,
    %slice3A_21 = vector.extract_strided_slice %get3A_20 {offsets = [0], sizes = [1], strides = [1]} : vector<16xi32> to vector<1xi32>
    %squeeze3A_22 = vector.extract %slice3A_21[0] : i32 from vector<1xi32>
    %shift_right_arithmetic3A_23 = arith.constant 7 : i32
    %shift_right_arithmetic3A_24 = arith.shrsi %squeeze3A_22, %shift_right_arithmetic3A_23 : i32
    %mul3A_25 = arith.constant 128 : i32
    %mul3A_26 = arith.muli %shift_right_arithmetic3A_24, %mul3A_25 : i32
    %multiple_of3A_27 = tpu.assume_multiple %mul3A_26, 128 : i32
    %dma_start3A_28 = arith.constant 1 : i32
    %dma_start3A_29 = arith.constant 0 : i32
    %dma_start3A_30 = arith.constant 0 : i32
    %dma_start3A_31 = tpu.memref_slice %arg6[%dma_start3A_28, %dma_start3A_29, %dma_start3A_30] : memref<8x32x128xf32, #tpu.memory_space<vmem>> -> memref<1x32x128xf32, #tpu.memory_space<vmem>>
    %dma_start3A_32 = tpu.memref_squeeze %dma_start3A_31 : memref<1x32x128xf32, #tpu.memory_space<vmem>> -> memref<32x128xf32, #tpu.memory_space<vmem>>
    %dma_start3A_33 = arith.constant 0 : i32
    %dma_start3A_34 = tpu.memref_slice %arg2[%dma_start3A_33, %multiple_of3A_27] : memref<32x1000000xf32, #tpu.memory_space<hbm>> -> memref<32x128xf32, #tpu.memory_space<hbm>>
    %dma_start3A_35 = arith.constant 0 : i32
    %dma_start3A_36 = arith.constant 0 : i32
    %dma_start3A_37 = tpu.memref_slice %arg6[%dma_start3A_28, %dma_start3A_35, %dma_start3A_36] : memref<8x32x128xf32, #tpu.memory_space<vmem>> -> memref<1x32x128xf32, #tpu.memory_space<vmem>>
    %dma_start3A_38 = tpu.memref_squeeze %dma_start3A_37 : memref<1x32x128xf32, #tpu.memory_space<vmem>> -> memref<32x128xf32, #tpu.memory_space<vmem>>
    %dma_start3A_39 = arith.constant 0 : i32
    %dma_start3A_40 = tpu.memref_slice %arg2[%dma_start3A_39, %multiple_of3A_27] : memref<32x1000000xf32, #tpu.memory_space<hbm>> -> memref<32x128xf32, #tpu.memory_space<hbm>>
    tpu.enqueue_dma source(%dma_start3A_40 : memref<32x128xf32, #tpu.memory_space<hbm>>) target(%dma_start3A_38 : memref<32x128xf32, #tpu.memory_space<vmem>>) target_semaphore(%arg8 : memref<!tpu.dma_semaphore, #tpu.memory_space<semaphore_mem>>)
    %get3A_41 = arith.constant 2 : index
    %get3A_42 = tpu.vector_load %arg5[%get3A_41] {strides = array<i32>} : memref<528xi32, #tpu.memory_space<vmem>>, vector<16xi32>,
    %slice3A_43 = vector.extract_strided_slice %get3A_42 {offsets = [0], sizes = [1], strides = [1]} : vector<16xi32> to vector<1xi32>
    %squeeze3A_44 = vector.extract %slice3A_43[0] : i32 from vector<1xi32>
    %shift_right_arithmetic3A_45 = arith.constant 7 : i32
    %shift_right_arithmetic3A_46 = arith.shrsi %squeeze3A_44, %shift_right_arithmetic3A_45 : i32
    %mul3A_47 = arith.constant 128 : i32
    %mul3A_48 = arith.muli %shift_right_arithmetic3A_46, %mul3A_47 : i32
    %multiple_of3A_49 = tpu.assume_multiple %mul3A_48, 128 : i32
    %dma_start3A_50 = arith.constant 2 : i32
    %dma_start3A_51 = arith.constant 0 : i32
    %dma_start3A_52 = arith.constant 0 : i32
    %dma_start3A_53 = tpu.memref_slice %arg6[%dma_start3A_50, %dma_start3A_51, %dma_start3A_52] : memref<8x32x128xf32, #tpu.memory_space<vmem>> -> memref<1x32x128xf32, #tpu.memory_space<vmem>>
    %dma_start3A_54 = tpu.memref_squeeze %dma_start3A_53 : memref<1x32x128xf32, #tpu.memory_space<vmem>> -> memref<32x128xf32, #tpu.memory_space<vmem>>
    %dma_start3A_55 = arith.constant 0 : i32
    %dma_start3A_56 = tpu.memref_slice %arg2[%dma_start3A_55, %multiple_of3A_49] : memref<32x1000000xf32, #tpu.memory_space<hbm>> -> memref<32x128xf32, #tpu.memory_space<hbm>>
    %dma_start3A_57 = arith.constant 0 : i32
    %dma_start3A_58 = arith.constant 0 : i32
    %dma_start3A_59 = tpu.memref_slice %arg6[%dma_start3A_50, %dma_start3A_57, %dma_start3A_58] : memref<8x32x128xf32, #tpu.memory_space<vmem>> -> memref<1x32x128xf32, #tpu.memory_space<vmem>>
    %dma_start3A_60 = tpu.memref_squeeze %dma_start3A_59 : memref<1x32x128xf32, #tpu.memory_space<vmem>> -> memref<32x128xf32, #tpu.memory_space<vmem>>
    %dma_start3A_61 = arith.constant 0 : i32
    %dma_start3A_62 = tpu.memref_slice %arg2[%dma_start3A_61, %multiple_of3A_49] : memref<32x1000000xf32, #tpu.memory_space<hbm>> -> memref<32x128xf32, #tpu.memory_space<hbm>>
    tpu.enqueue_dma source(%dma_start3A_62 : memref<32x128xf32, #tpu.memory_space<hbm>>) target(%dma_start3A_60 : memref<32x128xf32, #tpu.memory_space<vmem>>) target_semaphore(%arg8 : memref<!tpu.dma_semaphore, #tpu.memory_space<semaphore_mem>>)
    %get3A_63 = arith.constant 3 : index
    %get3A_64 = tpu.vector_load %arg5[%get3A_63] {strides = array<i32>} : memref<528xi32, #tpu.memory_space<vmem>>, vector<16xi32>,
    %slice3A_65 = vector.extract_strided_slice %get3A_64 {offsets = [0], sizes = [1], strides = [1]} : vector<16xi32> to vector<1xi32>
    %squeeze3A_66 = vector.extract %slice3A_65[0] : i32 from vector<1xi32>
    %shift_right_arithmetic3A_67 = arith.constant 7 : i32
    %shift_right_arithmetic3A_68 = arith.shrsi %squeeze3A_66, %shift_right_arithmetic3A_67 : i32
    %mul3A_69 = arith.constant 128 : i32
    %mul3A_70 = arith.muli %shift_right_arithmetic3A_68, %mul3A_69 : i32
    %multiple_of3A_71 = tpu.assume_multiple %mul3A_70, 128 : i32
    %dma_start3A_72 = arith.constant 3 : i32
    %dma_start3A_73 = arith.constant 0 : i32
    %dma_start3A_74 = arith.constant 0 : i32
    %dma_start3A_75 = tpu.memref_slice %arg6[%dma_start3A_72, %dma_start3A_73, %dma_start3A_74] : memref<8x32x128xf32, #tpu.memory_space<vmem>> -> memref<1x32x128xf32, #tpu.memory_space<vmem>>
    %dma_start3A_76 = tpu.memref_squeeze %dma_start3A_75 : memref<1x32x128xf32, #tpu.memory_space<vmem>> -> memref<32x128xf32, #tpu.memory_space<vmem>>
    %dma_start3A_77 = arith.constant 0 : i32
    %dma_start3A_78 = tpu.memref_slice %arg2[%dma_start3A_77, %multiple_of3A_71] : memref<32x1000000xf32, #tpu.memory_space<hbm>> -> memref<32x128xf32, #tpu.memory_space<hbm>>
    %dma_start3A_79 = arith.constant 0 : i32
    %dma_start3A_80 = arith.constant 0 : i32
    %dma_start3A_81 = tpu.memref_slice %arg6[%dma_start3A_72, %dma_start3A_79, %dma_start3A_80] : memref<8x32x128xf32, #tpu.memory_space<vmem>> -> memref<1x32x128xf32, #tpu.memory_space<vmem>>
    %dma_start3A_82 = tpu.memref_squeeze %dma_start3A_81 : memref<1x32x128xf32, #tpu.memory_space<vmem>> -> memref<32x128xf32, #tpu.memory_space<vmem>>
    %dma_start3A_83 = arith.constant 0 : i32
    %dma_start3A_84 = tpu.memref_slice %arg2[%dma_start3A_83, %multiple_of3A_71] : memref<32x1000000xf32, #tpu.memory_space<hbm>> -> memref<32x128xf32, #tpu.memory_space<hbm>>
    tpu.enqueue_dma source(%dma_start3A_84 : memref<32x128xf32, #tpu.memory_space<hbm>>) target(%dma_start3A_82 : memref<32x128xf32, #tpu.memory_space<vmem>>) target_semaphore(%arg8 : memref<!tpu.dma_semaphore, #tpu.memory_space<semaphore_mem>>)
    %get3A_85 = arith.constant 4 : index
    %get3A_86 = tpu.vector_load %arg5[%get3A_85] {strides = array<i32>} : memref<528xi32, #tpu.memory_space<vmem>>, vector<16xi32>,
    %slice3A_87 = vector.extract_strided_slice %get3A_86 {offsets = [0], sizes = [1], strides = [1]} : vector<16xi32> to vector<1xi32>
    %squeeze3A_88 = vector.extract %slice3A_87[0] : i32 from vector<1xi32>
    %shift_right_arithmetic3A_89 = arith.constant 7 : i32
    %shift_right_arithmetic3A_90 = arith.shrsi %squeeze3A_88, %shift_right_arithmetic3A_89 : i32
    %mul3A_91 = arith.constant 128 : i32
    %mul3A_92 = arith.muli %shift_right_arithmetic3A_90, %mul3A_91 : i32
    %multiple_of3A_93 = tpu.assume_multiple %mul3A_92, 128 : i32
    %dma_start3A_94 = arith.constant 4 : i32
    %dma_start3A_95 = arith.constant 0 : i32
    %dma_start3A_96 = arith.constant 0 : i32
    %dma_start3A_97 = tpu.memref_slice %arg6[%dma_start3A_94, %dma_start3A_95, %dma_start3A_96] : memref<8x32x128xf32, #tpu.memory_space<vmem>> -> memref<1x32x128xf32, #tpu.memory_space<vmem>>
    %dma_start3A_98 = tpu.memref_squeeze %dma_start3A_97 : memref<1x32x128xf32, #tpu.memory_space<vmem>> -> memref<32x128xf32, #tpu.memory_space<vmem>>
    %dma_start3A_99 = arith.constant 0 : i32
    %dma_start3A_100 = tpu.memref_slice %arg2[%dma_start3A_99, %multiple_of3A_93] : memref<32x1000000xf32, #tpu.memory_space<hbm>> -> memref<32x128xf32, #tpu.memory_space<hbm>>
    %dma_start3A_101 = arith.constant 0 : i32
    %dma_start3A_102 = arith.constant 0 : i32
    %dma_start3A_103 = tpu.memref_slice %arg6[%dma_start3A_94, %dma_start3A_101, %dma_start3A_102] : memref<8x32x128xf32, #tpu.memory_space<vmem>> -> memref<1x32x128xf32, #tpu.memory_space<vmem>>
    %dma_start3A_104 = tpu.memref_squeeze %dma_start3A_103 : memref<1x32x128xf32, #tpu.memory_space<vmem>> -> memref<32x128xf32, #tpu.memory_space<vmem>>
    %dma_start3A_105 = arith.constant 0 : i32
    %dma_start3A_106 = tpu.memref_slice %arg2[%dma_start3A_105, %multiple_of3A_93] : memref<32x1000000xf32, #tpu.memory_space<hbm>> -> memref<32x128xf32, #tpu.memory_space<hbm>>
    tpu.enqueue_dma source(%dma_start3A_106 : memref<32x128xf32, #tpu.memory_space<hbm>>) target(%dma_start3A_104 : memref<32x128xf32, #tpu.memory_space<vmem>>) target_semaphore(%arg8 : memref<!tpu.dma_semaphore, #tpu.memory_space<semaphore_mem>>)
    %get3A_107 = arith.constant 5 : index
    %get3A_108 = tpu.vector_load %arg5[%get3A_107] {strides = array<i32>} : memref<528xi32, #tpu.memory_space<vmem>>, vector<16xi32>,
    %slice3A_109 = vector.extract_strided_slice %get3A_108 {offsets = [0], sizes = [1], strides = [1]} : vector<16xi32> to vector<1xi32>
    %squeeze3A_110 = vector.extract %slice3A_109[0] : i32 from vector<1xi32>
    %shift_right_arithmetic3A_111 = arith.constant 7 : i32
    %shift_right_arithmetic3A_112 = arith.shrsi %squeeze3A_110, %shift_right_arithmetic3A_111 : i32
    %mul3A_113 = arith.constant 128 : i32
    %mul3A_114 = arith.muli %shift_right_arithmetic3A_112, %mul3A_113 : i32
    %multiple_of3A_115 = tpu.assume_multiple %mul3A_114, 128 : i32
    %dma_start3A_116 = arith.constant 5 : i32
    %dma_start3A_117 = arith.constant 0 : i32
    %dma_start3A_118 = arith.constant 0 : i32
    %dma_start3A_119 = tpu.memref_slice %arg6[%dma_start3A_116, %dma_start3A_117, %dma_start3A_118] : memref<8x32x128xf32, #tpu.memory_space<vmem>> -> memref<1x32x128xf32, #tpu.memory_space<vmem>>
    %dma_start3A_120 = tpu.memref_squeeze %dma_start3A_119 : memref<1x32x128xf32, #tpu.memory_space<vmem>> -> memref<32x128xf32, #tpu.memory_space<vmem>>
    %dma_start3A_121 = arith.constant 0 : i32
    %dma_start3A_122 = tpu.memref_slice %arg2[%dma_start3A_121, %multiple_of3A_115] : memref<32x1000000xf32, #tpu.memory_space<hbm>> -> memref<32x128xf32, #tpu.memory_space<hbm>>
    %dma_start3A_123 = arith.constant 0 : i32
    %dma_start3A_124 = arith.constant 0 : i32
    %dma_start3A_125 = tpu.memref_slice %arg6[%dma_start3A_116, %dma_start3A_123, %dma_start3A_124] : memref<8x32x128xf32, #tpu.memory_space<vmem>> -> memref<1x32x128xf32, #tpu.memory_space<vmem>>
    %dma_start3A_126 = tpu.memref_squeeze %dma_start3A_125 : memref<1x32x128xf32, #tpu.memory_space<vmem>> -> memref<32x128xf32, #tpu.memory_space<vmem>>
    %dma_start3A_127 = arith.constant 0 : i32
    %dma_start3A_128 = tpu.memref_slice %arg2[%dma_start3A_127, %multiple_of3A_115] : memref<32x1000000xf32, #tpu.memory_space<hbm>> -> memref<32x128xf32, #tpu.memory_space<hbm>>
    tpu.enqueue_dma source(%dma_start3A_128 : memref<32x128xf32, #tpu.memory_space<hbm>>) target(%dma_start3A_126 : memref<32x128xf32, #tpu.memory_space<vmem>>) target_semaphore(%arg8 : memref<!tpu.dma_semaphore, #tpu.memory_space<semaphore_mem>>)
    %get3A_129 = arith.constant 6 : index
    %get3A_130 = tpu.vector_load %arg5[%get3A_129] {strides = array<i32>} : memref<528xi32, #tpu.memory_space<vmem>>, vector<16xi32>,
    %slice3A_131 = vector.extract_strided_slice %get3A_130 {offsets = [0], sizes = [1], strides = [1]} : vector<16xi32> to vector<1xi32>
    %squeeze3A_132 = vector.extract %slice3A_131[0] : i32 from vector<1xi32>
    %shift_right_arithmetic3A_133 = arith.constant 7 : i32
    %shift_right_arithmetic3A_134 = arith.shrsi %squeeze3A_132, %shift_right_arithmetic3A_133 : i32
    %mul3A_135 = arith.constant 128 : i32
    %mul3A_136 = arith.muli %shift_right_arithmetic3A_134, %mul3A_135 : i32
    %multiple_of3A_137 = tpu.assume_multiple %mul3A_136, 128 : i32
    %dma_start3A_138 = arith.constant 6 : i32
    %dma_start3A_139 = arith.constant 0 : i32
    %dma_start3A_140 = arith.constant 0 : i32
    %dma_start3A_141 = tpu.memref_slice %arg6[%dma_start3A_138, %dma_start3A_139, %dma_start3A_140] : memref<8x32x128xf32, #tpu.memory_space<vmem>> -> memref<1x32x128xf32, #tpu.memory_space<vmem>>
    %dma_start3A_142 = tpu.memref_squeeze %dma_start3A_141 : memref<1x32x128xf32, #tpu.memory_space<vmem>> -> memref<32x128xf32, #tpu.memory_space<vmem>>
    %dma_start3A_143 = arith.constant 0 : i32
    %dma_start3A_144 = tpu.memref_slice %arg2[%dma_start3A_143, %multiple_of3A_137] : memref<32x1000000xf32, #tpu.memory_space<hbm>> -> memref<32x128xf32, #tpu.memory_space<hbm>>
    %dma_start3A_145 = arith.constant 0 : i32
    %dma_start3A_146 = arith.constant 0 : i32
    %dma_start3A_147 = tpu.memref_slice %arg6[%dma_start3A_138, %dma_start3A_145, %dma_start3A_146] : memref<8x32x128xf32, #tpu.memory_space<vmem>> -> memref<1x32x128xf32, #tpu.memory_space<vmem>>
    %dma_start3A_148 = tpu.memref_squeeze %dma_start3A_147 : memref<1x32x128xf32, #tpu.memory_space<vmem>> -> memref<32x128xf32, #tpu.memory_space<vmem>>
    %dma_start3A_149 = arith.constant 0 : i32
    %dma_start3A_150 = tpu.memref_slice %arg2[%dma_start3A_149, %multiple_of3A_137] : memref<32x1000000xf32, #tpu.memory_space<hbm>> -> memref<32x128xf32, #tpu.memory_space<hbm>>
    tpu.enqueue_dma source(%dma_start3A_150 : memref<32x128xf32, #tpu.memory_space<hbm>>) target(%dma_start3A_148 : memref<32x128xf32, #tpu.memory_space<vmem>>) target_semaphore(%arg8 : memref<!tpu.dma_semaphore, #tpu.memory_space<semaphore_mem>>)
    %get3A_151 = arith.constant 7 : index
    %get3A_152 = tpu.vector_load %arg5[%get3A_151] {strides = array<i32>} : memref<528xi32, #tpu.memory_space<vmem>>, vector<16xi32>,
    %slice3A_153 = vector.extract_strided_slice %get3A_152 {offsets = [0], sizes = [1], strides = [1]} : vector<16xi32> to vector<1xi32>
    %squeeze3A_154 = vector.extract %slice3A_153[0] : i32 from vector<1xi32>
    %shift_right_arithmetic3A_155 = arith.constant 7 : i32
    %shift_right_arithmetic3A_156 = arith.shrsi %squeeze3A_154, %shift_right_arithmetic3A_155 : i32
    %mul3A_157 = arith.constant 128 : i32
    %mul3A_158 = arith.muli %shift_right_arithmetic3A_156, %mul3A_157 : i32
    %multiple_of3A_159 = tpu.assume_multiple %mul3A_158, 128 : i32
    %dma_start3A_160 = arith.constant 7 : i32
    %dma_start3A_161 = arith.constant 0 : i32
    %dma_start3A_162 = arith.constant 0 : i32
    %dma_start3A_163 = tpu.memref_slice %arg6[%dma_start3A_160, %dma_start3A_161, %dma_start3A_162] : memref<8x32x128xf32, #tpu.memory_space<vmem>> -> memref<1x32x128xf32, #tpu.memory_space<vmem>>
    %dma_start3A_164 = tpu.memref_squeeze %dma_start3A_163 : memref<1x32x128xf32, #tpu.memory_space<vmem>> -> memref<32x128xf32, #tpu.memory_space<vmem>>
    %dma_start3A_165 = arith.constant 0 : i32
    %dma_start3A_166 = tpu.memref_slice %arg2[%dma_start3A_165, %multiple_of3A_159] : memref<32x1000000xf32, #tpu.memory_space<hbm>> -> memref<32x128xf32, #tpu.memory_space<hbm>>
    %dma_start3A_167 = arith.constant 0 : i32
    %dma_start3A_168 = arith.constant 0 : i32
    %dma_start3A_169 = tpu.memref_slice %arg6[%dma_start3A_160, %dma_start3A_167, %dma_start3A_168] : memref<8x32x128xf32, #tpu.memory_space<vmem>> -> memref<1x32x128xf32, #tpu.memory_space<vmem>>
    %dma_start3A_170 = tpu.memref_squeeze %dma_start3A_169 : memref<1x32x128xf32, #tpu.memory_space<vmem>> -> memref<32x128xf32, #tpu.memory_space<vmem>>
    %dma_start3A_171 = arith.constant 0 : i32
    %dma_start3A_172 = tpu.memref_slice %arg2[%dma_start3A_171, %multiple_of3A_159] : memref<32x1000000xf32, #tpu.memory_space<hbm>> -> memref<32x128xf32, #tpu.memory_space<hbm>>
    tpu.enqueue_dma source(%dma_start3A_172 : memref<32x128xf32, #tpu.memory_space<hbm>>) target(%dma_start3A_170 : memref<32x128xf32, #tpu.memory_space<vmem>>) target_semaphore(%arg8 : memref<!tpu.dma_semaphore, #tpu.memory_space<semaphore_mem>>)
    %scan3A = arith.constant 0 : i32
    %scan3A_173 = arith.constant 504 : i32
    %scan3A_174 = arith.addi %scan3A, %scan3A_173 : i32
    %scan3A_175 = arith.constant 1 : i32
    scf.for %scan3A_184 = %scan3A to %scan3A_174 step %scan3A_175  : i32 {
      %rem3A = arith.constant 8 : i32
      %rem3A_185 = arith.remsi %scan3A_184, %rem3A : i32
      %dma_wait3A = arith.constant 0 : i32
      %dma_wait3A_186 = arith.constant 0 : i32
      %dma_wait3A_187 = tpu.memref_slice %arg6[%rem3A_185, %dma_wait3A, %dma_wait3A_186] : memref<8x32x128xf32, #tpu.memory_space<vmem>> -> memref<1x32x128xf32, #tpu.memory_space<vmem>>
      %dma_wait3A_188 = tpu.memref_squeeze %dma_wait3A_187 : memref<1x32x128xf32, #tpu.memory_space<vmem>> -> memref<32x128xf32, #tpu.memory_space<vmem>>
      %dma_wait3A_189 = arith.constant 0 : i32
      %dma_wait3A_190 = arith.constant 0 : i32
      %dma_wait3A_191 = tpu.memref_slice %arg2[%dma_wait3A_189, %dma_wait3A_190] : memref<32x1000000xf32, #tpu.memory_space<hbm>> -> memref<32x128xf32, #tpu.memory_space<hbm>>
      %dma_wait3A_192 = arith.constant 0 : i32
      %dma_wait3A_193 = arith.constant 0 : i32
      %dma_wait3A_194 = tpu.memref_slice %arg6[%rem3A_185, %dma_wait3A_192, %dma_wait3A_193] : memref<8x32x128xf32, #tpu.memory_space<vmem>> -> memref<1x32x128xf32, #tpu.memory_space<vmem>>
      %dma_wait3A_195 = tpu.memref_squeeze %dma_wait3A_194 : memref<1x32x128xf32, #tpu.memory_space<vmem>> -> memref<32x128xf32, #tpu.memory_space<vmem>>
      %dma_wait3A_196 = arith.constant 0 : i32
      %dma_wait3A_197 = arith.constant 0 : i32
      %dma_wait3A_198 = tpu.memref_slice %arg2[%dma_wait3A_196, %dma_wait3A_197] : memref<32x1000000xf32, #tpu.memory_space<hbm>> -> memref<32x128xf32, #tpu.memory_space<hbm>>
      tpu.wait_dma2 semaphore(%arg8 : memref<!tpu.dma_semaphore, #tpu.memory_space<semaphore_mem>>) src(%dma_wait3A_198 : memref<32x128xf32, #tpu.memory_space<hbm>>) dst(%dma_wait3A_195 : memref<32x128xf32, #tpu.memory_space<vmem>>)
      %get3A_199 = arith.index_cast %scan3A_184 : i32 to index
      %get3A_200 = tpu.vector_load %arg5[%get3A_199] {strides = array<i32>} : memref<528xi32, #tpu.memory_space<vmem>>, vector<16xi32>,
      %slice3A_201 = vector.extract_strided_slice %get3A_200 {offsets = [0], sizes = [1], strides = [1]} : vector<16xi32> to vector<1xi32>
      %squeeze3A_202 = vector.extract %slice3A_201[0] : i32 from vector<1xi32>
      %and3A = arith.constant 127 : i32
      %and3A_203 = arith.andi %squeeze3A_202, %and3A : i32
      %broadcast_in_dim3A = vector.broadcast %and3A_203 : i32 to vector<16xi32>
      %broadcast_in_dim3A_204 = arith.constant 0 : i32
      %broadcast_in_dim3A_205 = vector.broadcast %broadcast_in_dim3A_204 : i32 to vector<16xi32>
      %add3A_206 = vector.broadcast %rem3A_185 : i32 to vector<16xi32>
      %add3A_207 = arith.addi %broadcast_in_dim3A_205, %add3A_206 : vector<16xi32>
      %gather3A = tpu.vector_load_idx %arg6[%add3A_207, %iota3A, %broadcast_in_dim3A] : memref<8x32x128xf32, #tpu.memory_space<vmem>>[vector<16xi32>, vector<16xi32>, vector<16xi32>], vector<16xf32>,
      %add3A_208 = arith.constant 16 : i32
      %add3A_209 = vector.broadcast %add3A_208 : i32 to vector<16xi32>
      %add3A_210 = arith.addi %iota3A, %add3A_209 : vector<16xi32>
      %gather3A_211 = tpu.vector_load_idx %arg6[%add3A_207, %add3A_210, %broadcast_in_dim3A] : memref<8x32x128xf32, #tpu.memory_space<vmem>>[vector<16xi32>, vector<16xi32>, vector<16xi32>], vector<16xf32>,
      %mul3A_212 = arith.constant 32 : i32
      %mul3A_213 = arith.muli %scan3A_184, %mul3A_212 : i32
      %swap3A = arith.index_cast %mul3A_213 : i32 to index
      %swap3A_214 = tpu.vector_load %arg7[%swap3A] {strides = array<i32>} : memref<16384xf32, #tpu.memory_space<vmem>>, vector<16xf32>,
      tpu.vector_store %arg7[%swap3A], %gather3A {strides = array<i32>} : memref<16384xf32, #tpu.memory_space<vmem>>, vector<16xf32>,
      %mul3A_215 = arith.constant 32 : i32
      %mul3A_216 = arith.muli %scan3A_184, %mul3A_215 : i32
      %add3A_217 = arith.constant 16 : i32
      %add3A_218 = arith.addi %mul3A_216, %add3A_217 : i32
      %swap3A_219 = arith.index_cast %add3A_218 : i32 to index
      %swap3A_220 = tpu.vector_load %arg7[%swap3A_219] {strides = array<i32>} : memref<16384xf32, #tpu.memory_space<vmem>>, vector<16xf32>,
      tpu.vector_store %arg7[%swap3A_219], %gather3A_211 {strides = array<i32>} : memref<16384xf32, #tpu.memory_space<vmem>>, vector<16xf32>,
      %add3A_221 = arith.constant 8 : i32
      %add3A_222 = arith.addi %scan3A_184, %add3A_221 : i32
      %add3A_223 = arith.constant 8 : i32
      %add3A_224 = arith.addi %scan3A_184, %add3A_223 : i32
      %rem3A_225 = arith.constant 8 : i32
      %rem3A_226 = arith.remsi %add3A_224, %rem3A_225 : i32
      %get3A_227 = arith.index_cast %add3A_222 : i32 to index
      %get3A_228 = tpu.vector_load %arg5[%get3A_227] {strides = array<i32>} : memref<528xi32, #tpu.memory_space<vmem>>, vector<16xi32>,
      %slice3A_229 = vector.extract_strided_slice %get3A_228 {offsets = [0], sizes = [1], strides = [1]} : vector<16xi32> to vector<1xi32>
      %squeeze3A_230 = vector.extract %slice3A_229[0] : i32 from vector<1xi32>
      %shift_right_arithmetic3A_231 = arith.constant 7 : i32
      %shift_right_arithmetic3A_232 = arith.shrsi %squeeze3A_230, %shift_right_arithmetic3A_231 : i32
      %mul3A_233 = arith.constant 128 : i32
      %mul3A_234 = arith.muli %shift_right_arithmetic3A_232, %mul3A_233 : i32
      %multiple_of3A_235 = tpu.assume_multiple %mul3A_234, 128 : i32
      %dma_start3A_236 = arith.constant 0 : i32
      %dma_start3A_237 = arith.constant 0 : i32
      %dma_start3A_238 = tpu.memref_slice %arg6[%rem3A_226, %dma_start3A_236, %dma_start3A_237] : memref<8x32x128xf32, #tpu.memory_space<vmem>> -> memref<1x32x128xf32, #tpu.memory_space<vmem>>
      %dma_start3A_239 = tpu.memref_squeeze %dma_start3A_238 : memref<1x32x128xf32, #tpu.memory_space<vmem>> -> memref<32x128xf32, #tpu.memory_space<vmem>>
      %dma_start3A_240 = arith.constant 0 : i32
      %dma_start3A_241 = tpu.memref_slice %arg2[%dma_start3A_240, %multiple_of3A_235] : memref<32x1000000xf32, #tpu.memory_space<hbm>> -> memref<32x128xf32, #tpu.memory_space<hbm>>
      %dma_start3A_242 = arith.constant 0 : i32
      %dma_start3A_243 = arith.constant 0 : i32
      %dma_start3A_244 = tpu.memref_slice %arg6[%rem3A_226, %dma_start3A_242, %dma_start3A_243] : memref<8x32x128xf32, #tpu.memory_space<vmem>> -> memref<1x32x128xf32, #tpu.memory_space<vmem>>
      %dma_start3A_245 = tpu.memref_squeeze %dma_start3A_244 : memref<1x32x128xf32, #tpu.memory_space<vmem>> -> memref<32x128xf32, #tpu.memory_space<vmem>>
      %dma_start3A_246 = arith.constant 0 : i32
      %dma_start3A_247 = tpu.memref_slice %arg2[%dma_start3A_246, %multiple_of3A_235] : memref<32x1000000xf32, #tpu.memory_space<hbm>> -> memref<32x128xf32, #tpu.memory_space<hbm>>
      tpu.enqueue_dma source(%dma_start3A_247 : memref<32x128xf32, #tpu.memory_space<hbm>>) target(%dma_start3A_245 : memref<32x128xf32, #tpu.memory_space<vmem>>) target_semaphore(%arg8 : memref<!tpu.dma_semaphore, #tpu.memory_space<semaphore_mem>>)
    }
    %scan3A_176 = arith.constant 504 : i32
    %scan3A_177 = arith.constant 504 : i32
    %scan3A_178 = arith.constant 8 : i32
    %scan3A_179 = arith.addi %scan3A_177, %scan3A_178 : i32
    %scan3A_180 = arith.constant 1 : i32
    scf.for %scan3A_184 = %scan3A_177 to %scan3A_179 step %scan3A_180  : i32 {
      %rem3A = arith.constant 8 : i32
      %rem3A_185 = arith.remsi %scan3A_184, %rem3A : i32
      %dma_wait3A = arith.constant 0 : i32
      %dma_wait3A_186 = arith.constant 0 : i32
      %dma_wait3A_187 = tpu.memref_slice %arg6[%rem3A_185, %dma_wait3A, %dma_wait3A_186] : memref<8x32x128xf32, #tpu.memory_space<vmem>> -> memref<1x32x128xf32, #tpu.memory_space<vmem>>
      %dma_wait3A_188 = tpu.memref_squeeze %dma_wait3A_187 : memref<1x32x128xf32, #tpu.memory_space<vmem>> -> memref<32x128xf32, #tpu.memory_space<vmem>>
      %dma_wait3A_189 = arith.constant 0 : i32
      %dma_wait3A_190 = arith.constant 0 : i32
      %dma_wait3A_191 = tpu.memref_slice %arg2[%dma_wait3A_189, %dma_wait3A_190] : memref<32x1000000xf32, #tpu.memory_space<hbm>> -> memref<32x128xf32, #tpu.memory_space<hbm>>
      %dma_wait3A_192 = arith.constant 0 : i32
      %dma_wait3A_193 = arith.constant 0 : i32
      %dma_wait3A_194 = tpu.memref_slice %arg6[%rem3A_185, %dma_wait3A_192, %dma_wait3A_193] : memref<8x32x128xf32, #tpu.memory_space<vmem>> -> memref<1x32x128xf32, #tpu.memory_space<vmem>>
      %dma_wait3A_195 = tpu.memref_squeeze %dma_wait3A_194 : memref<1x32x128xf32, #tpu.memory_space<vmem>> -> memref<32x128xf32, #tpu.memory_space<vmem>>
      %dma_wait3A_196 = arith.constant 0 : i32
      %dma_wait3A_197 = arith.constant 0 : i32
      %dma_wait3A_198 = tpu.memref_slice %arg2[%dma_wait3A_196, %dma_wait3A_197] : memref<32x1000000xf32, #tpu.memory_space<hbm>> -> memref<32x128xf32, #tpu.memory_space<hbm>>
      tpu.wait_dma2 semaphore(%arg8 : memref<!tpu.dma_semaphore, #tpu.memory_space<semaphore_mem>>) src(%dma_wait3A_198 : memref<32x128xf32, #tpu.memory_space<hbm>>) dst(%dma_wait3A_195 : memref<32x128xf32, #tpu.memory_space<vmem>>)
      %get3A_199 = arith.index_cast %scan3A_184 : i32 to index
      %get3A_200 = tpu.vector_load %arg5[%get3A_199] {strides = array<i32>} : memref<528xi32, #tpu.memory_space<vmem>>, vector<16xi32>,
      %slice3A_201 = vector.extract_strided_slice %get3A_200 {offsets = [0], sizes = [1], strides = [1]} : vector<16xi32> to vector<1xi32>
      %squeeze3A_202 = vector.extract %slice3A_201[0] : i32 from vector<1xi32>
      %and3A = arith.constant 127 : i32
      %and3A_203 = arith.andi %squeeze3A_202, %and3A : i32
      %broadcast_in_dim3A = vector.broadcast %and3A_203 : i32 to vector<16xi32>
      %broadcast_in_dim3A_204 = arith.constant 0 : i32
      %broadcast_in_dim3A_205 = vector.broadcast %broadcast_in_dim3A_204 : i32 to vector<16xi32>
      %add3A_206 = vector.broadcast %rem3A_185 : i32 to vector<16xi32>
      %add3A_207 = arith.addi %broadcast_in_dim3A_205, %add3A_206 : vector<16xi32>
      %gather3A = tpu.vector_load_idx %arg6[%add3A_207, %iota3A, %broadcast_in_dim3A] : memref<8x32x128xf32, #tpu.memory_space<vmem>>[vector<16xi32>, vector<16xi32>, vector<16xi32>], vector<16xf32>,
      %add3A_208 = arith.constant 16 : i32
      %add3A_209 = vector.broadcast %add3A_208 : i32 to vector<16xi32>
      %add3A_210 = arith.addi %iota3A, %add3A_209 : vector<16xi32>
      %gather3A_211 = tpu.vector_load_idx %arg6[%add3A_207, %add3A_210, %broadcast_in_dim3A] : memref<8x32x128xf32, #tpu.memory_space<vmem>>[vector<16xi32>, vector<16xi32>, vector<16xi32>], vector<16xf32>,
      %mul3A_212 = arith.constant 32 : i32
      %mul3A_213 = arith.muli %scan3A_184, %mul3A_212 : i32
      %swap3A = arith.index_cast %mul3A_213 : i32 to index
      %swap3A_214 = tpu.vector_load %arg7[%swap3A] {strides = array<i32>} : memref<16384xf32, #tpu.memory_space<vmem>>, vector<16xf32>,
      tpu.vector_store %arg7[%swap3A], %gather3A {strides = array<i32>} : memref<16384xf32, #tpu.memory_space<vmem>>, vector<16xf32>,
      %mul3A_215 = arith.constant 32 : i32
      %mul3A_216 = arith.muli %scan3A_184, %mul3A_215 : i32
      %add3A_217 = arith.constant 16 : i32
      %add3A_218 = arith.addi %mul3A_216, %add3A_217 : i32
      %swap3A_219 = arith.index_cast %add3A_218 : i32 to index
      %swap3A_220 = tpu.vector_load %arg7[%swap3A_219] {strides = array<i32>} : memref<16384xf32, #tpu.memory_space<vmem>>, vector<16xf32>,
      tpu.vector_store %arg7[%swap3A_219], %gather3A_211 {strides = array<i32>} : memref<16384xf32, #tpu.memory_space<vmem>>, vector<16xf32>,
    }
    %scan3A_181 = arith.constant 8 : i32
    %mul3A_182 = arith.constant 32 : i32
    %mul3A_183 = arith.muli %mul3A_2, %mul3A_182 : i32
    "tpu.region"() ({
      %run_scoped3A = tpu.sem_alloc : memref<!tpu.dma_semaphore, #tpu.memory_space<semaphore_mem>>
      %dma_start3A_184 = tpu.memref_slice %arg4[%mul3A_183] : memref<524288xf32, #tpu.memory_space<hbm>> -> memref<16384xf32, #tpu.memory_space<hbm>>
      %dma_start3A_185 = tpu.memref_slice %arg4[%mul3A_183] : memref<524288xf32, #tpu.memory_space<hbm>> -> memref<16384xf32, #tpu.memory_space<hbm>>
      tpu.enqueue_dma source(%arg7 : memref<16384xf32, #tpu.memory_space<vmem>>) target(%dma_start3A_185 : memref<16384xf32, #tpu.memory_space<hbm>>) target_semaphore(%run_scoped3A : memref<!tpu.dma_semaphore, #tpu.memory_space<semaphore_mem>>)
      %dma_wait3A = tpu.memref_slice %arg4[%mul3A_183] : memref<524288xf32, #tpu.memory_space<hbm>> -> memref<16384xf32, #tpu.memory_space<hbm>>
      %dma_wait3A_186 = tpu.memref_slice %arg4[%mul3A_183] : memref<524288xf32, #tpu.memory_space<hbm>> -> memref<16384xf32, #tpu.memory_space<hbm>>
      tpu.wait_dma2 semaphore(%run_scoped3A : memref<!tpu.dma_semaphore, #tpu.memory_space<semaphore_mem>>) src(%arg7 : memref<16384xf32, #tpu.memory_space<vmem>>) dst(%dma_wait3A_186 : memref<16384xf32, #tpu.memory_space<hbm>>)
      tpu.yield
    }) : () -> ()
    return
  }
}

</mosaic_0001>

<sc_bundles>
// kernel: kernel.4.cloned.1.call-start
scs
__scs_entry_jumppad:
0x0: {  	(pc) =	sbr.rel $0x88, $3  }
0x1: {  	(tag) =	ssettag $0x0;
	lr =	simm.s32 $0x1  }
0x2: {  	[smem:$0x3F9B] =	sst lr;
	_ =	strace $0xD0000000  }
0x3: {  	_ = 	snop  }
0x4: {  	_ = 	snop  }
0x5: {  	_ = 	snop  }
0x6: {  	_ = 	snop  }
0x7: {  	_ = 	snop  }
__scs_overlays_trampoline_lowered:
0x8: {  	[smem:$0x3FAA] =	sst s0  }
0x9: {  	[smem:$0x3FAB] =	sst s1  }
0xa: {  	[smem:$0x3FAC] =	sst s2  }
0xb: {  	[smem:$0x3FAD] =	sst s3  }
0xc: {  	[smem:$0x3FAE] =	sst s4  }
0xd: {  	[smem:$0x3FAF] =	sst s5  }
0xe: {  	[smem:$0x3FB0] =	sst s6  }
0xf: {  	[smem:$0x3FB1] =	sst s7  }
0x10: {  	[smem:$0x3FB2] =	sst s8  }
0x11: {  	[smem:$0x3FB3] =	sst s9;
	s0 =	simm.s32 @!p0 $0x0  }
0x12: {  	s1 =	sld [smem:$0x3F99];
	s0 =	simm.s32 @p0 $0x1  }
0x13: {  	[smem:$0x3FB4] =	sst s0;
	s0 =	simm.s32 @!p1 $0x0  }
0x14: {  	s2 =	sld [smem:$0x3F98];
	s0 =	simm.s32 @p1 $0x1  }
0x15: {  	[smem:$0x3FB5] =	sst s0;
	s0 =	simm.s32 @!p2 $0x0  }
0x16: {  	s3 =	sld [smem:$0x3FDB];
	s0 =	simm.s32 @p2 $0x1  }
0x17: {  	s4 =	simm.s32 $0x1BF5;
	[smem:$0x3FB7] =	sst s0  }
0x18: {  	s0 =	sld [smem:$0x3F9A];
	_ =	swait.ge [sflag:s4], $0x0  }
0x19: {  	s7 =	sld [smem:$0x3F9B]  }
0x1a: {  	s8 =	sadd.s32 $0xFFFFE003, lr  }
0x1b: {  	s9 =	sadd.s32 $0xFFFFFEF7, lr;
	s5 =	simm.s32 $0xFFFFFFFF;
	p2 =	slt.u32 s8, $0xFFFFF086  }
0x1c: {  	p1 =	slt.u32 s9, $0xF7A;
	s5 =	simm.s32 @!p2 $0x0  }
0x1d: {  	s5 =	simm.s32 @p1 $0x1;
	p0 =	seq.s32 s7, s2  }
0x1e: {  	s7 =	smul.u32 @!p0 $0xF7A, s2;
	p2 =	seq.s32 @!p0 s5, $0x0  }
0x1f: {  	s9 =	smul.u32 $0xF7A, s1;
	s8 =	simm.s32 @!p0 $0x1BF5;
	p2 =	por !p2, p0  }
0x20: {  	[sflag:s8] =	ssyncset.s32 @!p0 $0xFFFFF086;
	s6 =	sadd.s32 @!p0 s3, s7;
	s7 =	simm.s32 @!p0 $0x108  }
0x21: {  	s3 =	sadd.s32 s3, s9;
	s6 =	sadd.s32 @!p0 $0x88, s6;
	s7 =	simm.s32 @p2 $0x1082  }
0x22: {  	[simem:s7], [sflag:s8] =	dma.local @!p0 [hbm:s6], $0xF7A  }
0x23: {  	s9 =	sor.u32 $0xD0000000, s2;
	s6 =	simm.s32 $0x108;
	_ =	swait.ge @!p0 [sflag:s8], $0x0  }
0x24: {  	s3 =	sadd.s32 $0x88, s3;
	s6 =	simm.s32 @!p1 $0x1082;
	[sflag:s4] =	ssyncset.s32 $0xFFFFF086  }
0x25: {  	[simem:s6], [sflag:s4] =	dma.local [hbm:s3], $0xF7A  }
0x26: {  	[smem:$0x3F9B] =	sst s1;
	(tag) =	ssettag s2;
	_ =	strace s9  }
0x27: {  	s1 =	sld [smem:$0x3FAB]  }
0x28: {  	s2 =	sld [smem:$0x3FAC]  }
0x29: {  	s4 =	sld [smem:$0x3FAE]  }
0x2a: {  	p0 =	seq.s32 s5, $0x0;
	s5 =	sld [smem:$0x3FAF]  }
0x2b: {  	s6 =	sld [smem:$0x3FB0]  }
0x2c: {  	s7 =	sld [smem:$0x3FB1]  }
0x2d: {  	s3 =	simm.s32 $0x108;
	s8 =	sld [smem:$0x3FB2]  }
0x2e: {  	s3 =	simm.s32 @!p0 $0x1082;
	s9 =	sld [smem:$0x3FB3]  }
0x2f: {  	lr =	sadd.s32 s0, s3;
	s0 =	sld [smem:$0x3FAA]  }
0x30: {  	s3 =	sld [smem:$0x3FAD]  }
0x31: {  	[smem:$0x3FB6] =	sst s10  }
0x32: {  	s10 =	sld [smem:$0x3FB4];
	_ =	sdelay $0x3  }
0x33: {  	p0 =	seq.s32 s10, $0x1;
	s10 =	sld [smem:$0x3FB6];
	_ =	sdelay $0x3  }
0x34: {  	[smem:$0x3FB6] =	sst s10  }
0x35: {  	s10 =	sld [smem:$0x3FB5];
	_ =	sdelay $0x3  }
0x36: {  	p1 =	seq.s32 s10, $0x1;
	s10 =	sld [smem:$0x3FB6];
	_ =	sdelay $0x3  }
0x37: {  	[smem:$0x3FB6] =	sst s10  }
0x38: {  	s10 =	sld [smem:$0x3FB7]  }
0x39: {  	_ = 	snop;
	(pc) =	sbr.ind lr, $3  }
0x3a: {  	_ = 	snop  }
0x3b: {  	_ = 	snop  }
0x3c: {  	p2 =	seq.s32 s10, $0x1;
	s10 =	sld [smem:$0x3FB6]  }
0x3d: {  	_ =	shalt  }
0x3e: {  	_ =	shalt  }
0x3f: {  	_ =	shalt  }
0x40: {  	_ =	shalt  }
0x41: {  	_ =	shalt  }
0x42: {  	_ =	shalt  }
0x43: {  	_ =	shalt  }
0x44: {  	_ =	shalt  }
0x45: {  	_ =	shalt  }
0x46: {  	_ =	shalt  }
0x47: {  	_ =	shalt  }
0x48: {  	_ =	shalt  }
0x49: {  	_ =	shalt  }
0x4a: {  	_ =	shalt  }
0x4b: {  	_ =	shalt  }
0x4c: {  	_ =	shalt  }
0x4d: {  	_ =	shalt  }
0x4e: {  	_ =	shalt  }
0x4f: {  	_ =	shalt  }
0x50: {  	_ =	shalt  }
0x51: {  	_ =	shalt  }
0x52: {  	_ =	shalt  }
0x53: {  	_ =	shalt  }
0x54: {  	_ =	shalt  }
0x55: {  	_ =	shalt  }
0x56: {  	_ =	shalt  }
0x57: {  	_ =	shalt  }
0x58: {  	_ =	shalt  }
0x59: {  	_ =	shalt  }
0x5a: {  	_ =	shalt  }
0x5b: {  	_ =	shalt  }
0x5c: {  	_ =	shalt  }
0x5d: {  	_ =	shalt  }
0x5e: {  	_ =	shalt  }
0x5f: {  	_ =	shalt  }
0x60: {  	_ =	shalt  }
0x61: {  	_ =	shalt  }
0x62: {  	_ =	shalt  }
0x63: {  	_ =	shalt  }
0x64: {  	_ =	shalt  }
0x65: {  	_ =	shalt  }
0x66: {  	_ =	shalt  }
0x67: {  	_ =	shalt  }
0x68: {  	_ =	shalt  }
0x69: {  	_ =	shalt  }
0x6a: {  	_ =	shalt  }
0x6b: {  	_ =	shalt  }
0x6c: {  	_ =	shalt  }
0x6d: {  	_ =	shalt  }
0x6e: {  	_ =	shalt  }
0x6f: {  	_ =	shalt  }
0x70: {  	_ =	shalt  }
0x71: {  	_ =	shalt  }
0x72: {  	_ =	shalt  }
0x73: {  	_ =	shalt  }
0x74: {  	_ =	shalt  }
0x75: {  	_ =	shalt  }
0x76: {  	_ =	shalt  }
0x77: {  	_ =	shalt  }
0x78: {  	_ =	shalt  }
0x79: {  	_ =	shalt  }
0x7a: {  	_ =	shalt  }
0x7b: {  	_ =	shalt  }
0x7c: {  	_ =	shalt  }
0x7d: {  	_ =	shalt  }
0x7e: {  	_ =	shalt  }
0x7f: {  	_ =	shalt  }
0x80: {  	_ =	shalt  }
0x81: {  	_ =	shalt  }
0x82: {  	_ =	shalt  }
0x83: {  	_ =	shalt  }
0x84: {  	_ =	shalt  }
0x85: {  	_ =	shalt  }
0x86: {  	_ =	shalt  }
0x87: {  	_ =	shalt  }
.Lfunc_end0:
.L_simem_size_0:
called_computation_lowered:
.L_overlay_start_0:
0x88: {  	s2 =	sld [smem:$0x3FD9]  }
0x89: {  	s3 =	sld [smem:$0x3FFE];
	_ =	sdelay $0x1  }
0x8a: {  	s1 =	srdreg.scid  }
0x8b: {  	s0 =	sand.u32 $0x1, s1  }
0x8c: {  	s17 =	sshll.u32 s0, $0xA;
	s2 =	sadd.s32 s3, s2  }
0x8d: {  	s2 =	sadd.s32 s2, s17  }
0x8e: {  	[smem:$0x3FC2] =	sst s2  }
0x8f: {  	_ = 	snop  }
0x90: {  	s2 =	sld [smem:$0x3FC9]  }
0x91: {  	s18 =	sld [smem:$0x3FC7];
	(tm) =	ssettm $0x1  }
0x92: {  	s4 =	sld [smem:$0x3FFB];
	_ =	sdelay $0x3  }
0x93: {  	_ =	strace s4  }
0x94: {  	s4 =	sld [smem:$0x3FFC];
	_ =	sdelay $0x3  }
0x95: {  	_ =	strace s4  }
0x96: {  	s4 =	sld [smem:$0x3FFD];
	_ =	sdelay $0x3  }
0x97: {  	_ =	strace s4  }
0x98: {  	_ =	strace $0x8FFFFFFF  }
0x99: {  	s19 =	sld [smem:$0x3FDB];
	_ =	sdelay $0x1  }
0x9a: {  	s5 =	simm.s32 $_scs_section_size  }
0x9b: {  	s6 =	simm.s32 $_size__tile_overlayer_lowered;
	s7 =	simm.s32 $_tile_overlayer_lowered  }
0x9c: {  	s22 =	simm.s32 $0x1BFF;
	s21 =	sshll.u32 s7, $0x1;
	s4 =	sadd.s32 s5, s19  }
0x9d: {  	s8 =	simm.s32 $0x0;
	s20 =	sshll.u32 s6, $0x1;
	s6 =	sadd.s32 s21, s4  }
0x9e: {  	[timem:s8], [sflag:s22] =	dma.local [hbm:s6], s20  }
0x9f: {  	_ =	swait.ge [sflag:s22], s20  }
0xa0: {  	s5 =	ssub.s32 $0x0, s20;
	[sflag:s22] =	ssyncset.done $0x0  }
0xa1: {  	[sflag:s22] =	ssyncadd.s32 s5;
	_ =	sdelay $0x1  }
0xa2: {  	s23 =	simm.s32 $0x1B8B  }
0xa3: {  	_ =	swait.ge [sflag:s23], $0x1  }
0xa4: {  	[sflag:s23] =	ssyncset.done $0x0  }
0xa5: {  	s25 =	simm.s32 $0x1B8E;
	s24 =	sld [smem:$0x3FFE];
	[sflag:s23] =	ssyncadd.s32 $0xFFFFFFFF  }
0xa6: {  	s26 =	simm.s32 $execute0_lowered;
	[smem:$0x3FD2] =	sst s25  }
0xa7: {  	s6 =	sshll.u32 s26, $0x1;
	_ =	strace $0x80000046;
	[dreg:$0x1] =	wrdreg $0xFFFFFFFF  }
0xa8: {  	s28 =	simm.s32 $_size_execute0_lowered;
	s4 =	sadd.s32 s4, s6;
	[dreg:$0x0] =	wrdreg $0x0  }
0xa9: {  	s6 =	sshll.u32 s28, $0x1;
	[dreg:$0x2] =	wrdreg s4  }
0xaa: {  	[dreg:$0x3] =	wrdreg s6  }
0xab: {  	[dreg:$0x4] =	wrdreg $0xC0  }
0xac: {  	_ =	task [dreg:s8], $0x5FFFF  }
0xad: {  	[dreg:$0x1] =	wrdreg $0xFFFFFFFF  }
0xae: {  	[dreg:$0x0] =	wrdreg $0x60  }
0xaf: {  	[dreg:$0x2] =	wrdreg s18  }
0xb0: {  	[dreg:$0x3] =	wrdreg s2  }
0xb1: {  	[dreg:$0x4] =	wrdreg s24  }
0xb2: {  	[dreg:$0x5] =	wrdreg $0x9  }
0xb3: {  	_ =	task.clear_ibuf [dreg:s8], $0x6FFFF;
	_ =	strace $0x90000046  }
0xb4: {  	s29 =	simm.s32 $0x9;
	_ =	strace $0x80000048  }
0xb5: {  	_ =	swait.ge [sflag:s29], $0x1  }
0xb6: {  	[sflag:s29] =	ssyncadd.s32 $0xFFFFFFFF  }
0xb7: {  	_ =	strace $0x90000048  }
0xb8: {  	_ =	sfence  }
0xb9: {  	s30 =	sld [smem:$0x0];
	_ =	sdelay $0x2  }
0xba: {  	s31 =	sshll.u32 s1, $0xD;
	s1 =	sshrl.u32 s1, $0x2  }
0xbb: {  	s3 =	sand.u32 $0x4000, s31;
	s1 =	sadd.s32 s1, s30  }
0xbc: {  	s0 =	sor.u32 s3, s0;
	s1 =	sshll.u32 s1, $0x11  }
0xbd: {  	s0 =	sor.u32 s1, s0  }
0xbe: {  	s0 =	sadd.s32 $0x8F2B, s0  }
0xbf: {  	[sflag:s0] =	ssyncadd.remote.s32 $0x1  }
0xc0: {  	_ =	sfence.sel $0xFFFF  }
0xc1: {  	[dreg:$0x0] =	wrdreg $0xFFFFFFFF;
	(pc) =	sbr.abs _section_cstart, $3  }
0xc2: {  	[dreg:$0x1] =	wrdreg $0xFFFFFFFF  }
0xc3: {  	_ =	task.clear_ibuf [dreg:s8], $0x2FFFF;
	_ =	strace $0x9FFFFFFF  }
0xc4: {  	(tm) =	ssettm $0x7FFFFFFF  }
0xc5: {  	_ =	shalt  }
tec
execute0_lowered:
.L_overlay_start_1:
0x0: {  	(tag) =	ssettag $0x1  }
0x1: {  	s1 =	rddreg [dreg:$0x0]  }
0x2: {  	s4 =	rddreg [dreg:$0x1]  }
0x3: {  	s5 =	rddreg [dreg:$0x2]  }
0x4: {  	s0 =	rddreg [dreg:$0x3];
	s6 =	srdreg.scid  }
0x5: {  	s2 =	stileid.u32;
	s3 =	simm.s32 $0x0;
	s9 =	simm.s32 $0x7A1400  }
0x6: {  	s10 =	simm.s32 $0x280;
	s11 =	simm.s32 $0x1280;
	s12 =	simm.s32 $0x2280  }
0x7: {  	s13 =	simm.s32 $0x3280;
	s14 =	simm.s32 $0x4280;
	s15 =	simm.s32 $0x5280  }
0x8: {  	s16 =	simm.s32 $0x6280;
	s17 =	simm.s32 $0x7280;
	s18 =	simm.s32 $0x1  }
0x9: {  	s19 =	simm.s32 $0x8280;
	s6 =	sand.u32 $0x1, s6;
	s7 =	sshll.u32 s2, $0x1  }
0xa: {  	s20 =	simm.s32 $0x0;
	[smem:$0x7FF] =	sst s3;
	s7 =	sor.u32 s6, s7  }
0xb: {  	v0 =	vlaneseq.u32;
	_ =	strace $0x80000047;
	s6 =	ssub.s32 $0x2, s6;
	s8 =	sshll.u32 s7, $0xB  }
0xc: {  	v0 =	vmul.u32 $0x80, v0;
	s31 =	sshrl.u32 s6, $0x1;
	s7 =	sshll.u32 s7, $0x6;
	s5 =	sadd.s32 s8, s5  }
0xd: {  	s6 =	ssub.s32 s6, s31;
	s4 =	sadd.s32 s4, s7;
	s7 =	simm.s32 $0x2  }
0xe: {  	v1 =	vor.u32 $0x800, v0;
	s8 =	simm.s32 $0x400;
	s5 =	sadd.s32 $0xC00, s5;
	s6 =	smax.u32 s6, $0x1  }
.LBB2_1:
0xf: {  	[tilespmem:s3], [sflag:$0x2] =	stream.linear.gather [hbm4b:s4+s3], $0x200, $0x38;
	[tilespmem:$0xC280] =	vst v63  }
0x10: {  	_ =	swait.ge [sflag:s7], $0x200  }
0x11: {  	[sflag:s7] =	ssyncset.done $0x0  }
0x12: {  	[sflag:s7] =	ssyncadd.s32 $0xFFFFFE00  }
0x13: {  	v2 =	vld [tilespmem:$0x0];
	_ =	sdelay $0x4  }
0x14: {  	(v2sf) =	vpush v2, $0x0;
	_ =	sdelay $0xe  }
0x15: {  	s21 =	spop (v2sf)  }
0x16: {  	s21 =	sand.u32 $0xFFFFF80, s21  }
0x17: {  	s21 =	sadd.s32 s1, s21  }
0x18: {  	[tilespmem:s10], [sflag:$0x1] =	stream.strided.gather [hbm4b:s21+s8], $0x1000, s9, s8, $0x38;
	[tilespmem:$0xC280] =	vst v63  }
0x19: {  	v2 =	vld [tilespmem:$0x1];
	_ =	sdelay $0x4  }
0x1a: {  	(v2sf) =	vpush v2, $0x0;
	_ =	sdelay $0xe  }
0x1b: {  	s24 =	spop (v2sf)  }
0x1c: {  	s21 =	sand.u32 $0xFFFFF80, s24  }
0x1d: {  	s21 =	sadd.s32 s1, s21  }
0x1e: {  	[tilespmem:s11], [sflag:$0x1] =	stream.strided.gather [hbm4b:s21+s8], $0x1000, s9, s8, $0x38;
	[tilespmem:$0xC280] =	vst v63  }
0x1f: {  	v2 =	vld [tilespmem:$0x2];
	_ =	sdelay $0x4  }
0x20: {  	(v2sf) =	vpush v2, $0x0;
	_ =	sdelay $0xe  }
0x21: {  	s25 =	spop (v2sf)  }
0x22: {  	s21 =	sand.u32 $0xFFFFF80, s25  }
0x23: {  	s21 =	sadd.s32 s1, s21  }
0x24: {  	[tilespmem:s12], [sflag:$0x1] =	stream.strided.gather [hbm4b:s21+s8], $0x1000, s9, s8, $0x38;
	[tilespmem:$0xC280] =	vst v63  }
0x25: {  	v2 =	vld [tilespmem:$0x3];
	_ =	sdelay $0x4  }
0x26: {  	(v2sf) =	vpush v2, $0x0;
	_ =	sdelay $0xe  }
0x27: {  	s26 =	spop (v2sf)  }
0x28: {  	s21 =	sand.u32 $0xFFFFF80, s26  }
0x29: {  	s21 =	sadd.s32 s1, s21  }
0x2a: {  	[tilespmem:s13], [sflag:$0x1] =	stream.strided.gather [hbm4b:s21+s8], $0x1000, s9, s8, $0x38;
	[tilespmem:$0xC280] =	vst v63  }
0x2b: {  	v2 =	vld [tilespmem:$0x4];
	_ =	sdelay $0x4  }
0x2c: {  	(v2sf) =	vpush v2, $0x0;
	_ =	sdelay $0xe  }
0x2d: {  	s28 =	spop (v2sf)  }
0x2e: {  	s21 =	sand.u32 $0xFFFFF80, s28  }
0x2f: {  	s21 =	sadd.s32 s1, s21  }
0x30: {  	[tilespmem:s14], [sflag:$0x1] =	stream.strided.gather [hbm4b:s21+s8], $0x1000, s9, s8, $0x38;
	[tilespmem:$0xC280] =	vst v63  }
0x31: {  	v2 =	vld [tilespmem:$0x5];
	_ =	sdelay $0x4  }
0x32: {  	(v2sf) =	vpush v2, $0x0;
	_ =	sdelay $0xe  }
0x33: {  	s29 =	spop (v2sf)  }
0x34: {  	s21 =	sand.u32 $0xFFFFF80, s29  }
0x35: {  	s21 =	sadd.s32 s1, s21  }
0x36: {  	[tilespmem:s15], [sflag:$0x1] =	stream.strided.gather [hbm4b:s21+s8], $0x1000, s9, s8, $0x38;
	[tilespmem:$0xC280] =	vst v63  }
0x37: {  	v2 =	vld [tilespmem:$0x6];
	_ =	sdelay $0x4  }
0x38: {  	(v2sf) =	vpush v2, $0x0;
	_ =	sdelay $0xe  }
0x39: {  	s30 =	spop (v2sf)  }
0x3a: {  	s21 =	sand.u32 $0xFFFFF80, s30  }
0x3b: {  	s21 =	sadd.s32 s1, s21  }
0x3c: {  	[tilespmem:s16], [sflag:$0x1] =	stream.strided.gather [hbm4b:s21+s8], $0x1000, s9, s8, $0x38;
	[tilespmem:$0xC280] =	vst v63  }
0x3d: {  	v2 =	vld [tilespmem:$0x7];
	_ =	sdelay $0x4  }
0x3e: {  	(v2sf) =	vpush v2, $0x0;
	_ =	sdelay $0xe  }
0x3f: {  	s31 =	spop (v2sf)  }
0x40: {  	s21 =	sand.u32 $0xFFFFF80, s31  }
0x41: {  	s22 =	simm.s32 $0x8290;
	s21 =	sadd.s32 s1, s21  }
0x42: {  	[tilespmem:s17], [sflag:$0x1] =	stream.strided.gather [hbm4b:s21+s8], $0x1000, s9, s8, $0x38;
	[tilespmem:$0xC280] =	vst v63  }
0x43: {  	s23 =	simm.s32 $0x0;
	s24 =	simm.s32 $0x0;
	s21 =	simm.s32 $0x8  }
.LBB2_2:
0x44: {  	_ =	swait.ge [sflag:s18], $0x1000  }
0x45: {  	[sflag:s18] =	ssyncset.done $0x0  }
0x46: {  	[sflag:s18] =	ssyncadd.s32 $0xFFFFF000  }
0x47: {  	v2 =	vld [tilespmem:s21+$0xFFFFFFF8];
	_ =	sdelay $0x4  }
0x48: {  	(v2sf) =	vpush v2, $0x0;
	_ =	sdelay $0xe  }
0x49: {  	s25 =	sand.u32 $0x7, s24;
	s26 =	spop (v2sf)  }
0x4a: {  	s25 =	sshll.u32 s25, $0xC;
	s26 =	sand.u32 $0x7F, s26  }
0x4b: {  	s25 =	sor.u32 s25, s26  }
0x4c: {  	v2 =	vor.u32 s25, v0  }
0x4d: {  	v3 =	vor.u32 s25, v1;
	_ =	sdelay $0x3  }
0x4e: {  	v2 =	vld.idx.msk [tilespmem:v2+s10+$0x0], $0xffff  }
0x4f: {  	v3 =	vld.idx.msk [tilespmem:v3+s10+$0x0], $0xffff;
	_ =	sdelay $0x3  }
0x50: {  	[tilespmem:s22+$0xFFFFFFF0] =	vst v2  }
0x51: {  	[tilespmem:s22+$0x0] =	vst v3  }
0x52: {  	v2 =	vld [tilespmem:s21+$0x0];
	_ =	sdelay $0x4  }
0x53: {  	(v2sf) =	vpush v2, $0x0;
	_ =	sdelay $0xc  }
0x54: {  	p0 =	sne.s32 s24, $0x1F7  }
.Ltmp0:
0x55: {  	s31 =	sand.u32 $0x1C000, s23;
	(pc) =	sbr.rel @p0 .LBB2_2-.Ltmp0, $4  }
0x56: {  	s23 =	sadd.s32 $0x4000, s23;
	s26 =	sshrl.u32 s31, $0x2;
	s30 =	spop (v2sf)  }
0x57: {  	s24 =	sadd.s32 $0x1, s24;
	s26 =	sor.u32 $0x280, s26;
	s25 =	sand.u32 $0xFFFFF80, s30  }
0x58: {  	s22 =	sadd.s32 $0x20, s22;
	s21 =	sadd.s32 $0x1, s21;
	s25 =	sadd.s32 s1, s25  }
0x59: {  	[tilespmem:s26], [sflag:$0x1] =	stream.strided.gather [hbm4b:s25+s8], $0x1000, s9, s8, $0x38;
	[tilespmem:$0xC280] =	vst v63  }
0x5a: {  	_ =	swait.ge [sflag:s18], $0x1000  }
0x5b: {  	[sflag:s18] =	ssyncset.done $0x0  }
0x5c: {  	s21 =	simm.s32 $0x1F8;
	[sflag:s18] =	ssyncadd.s32 $0xFFFFF000  }
0x5d: {  	v2 =	vld [tilespmem:s21+$0x0];
	_ =	sdelay $0x4  }
0x5e: {  	(v2sf) =	vpush v2, $0x0;
	_ =	sdelay $0xe  }
0x5f: {  	s22 =	spop (v2sf)  }
0x60: {  	s23 =	simm.s32 $0x0;
	s22 =	sand.u32 $0x7F, s22  }
0x61: {  	s22 =	sor.u32 s23, s22  }
0x62: {  	v2 =	vor.u32 s22, v0  }
0x63: {  	v3 =	vor.u32 s22, v1;
	_ =	sdelay $0x3  }
0x64: {  	v2 =	vld.idx.msk [tilespmem:v2+s10+$0x0], $0xffff  }
0x65: {  	s24 =	simm.s32 $0xC190;
	s23 =	simm.s32 $0x1;
	s22 =	simm.s32 $0xC190;
	v3 =	vld.idx.msk [tilespmem:v3+s10+$0x0], $0xffff  }
.LBB2_4:
0x66: {  	_ =	sdelay $0x2  }
0x67: {  	p0 =	sne.s32 s23, $0x7;
	s21 =	sadd.s32 $0x1, s21;
	s24 =	sadd.s32 $0x20, s24;
	[tilespmem:s22+$0xFFFFFFF0] =	vst v2  }
0x68: {  	s25 =	smov.u32 s23;
	s23 =	sadd.s32 $0x1, s23;
	[tilespmem:s22+$0x0] =	vst v3;
	s22 =	smov.u32 s24  }
0x69: {  	_ =	swait.ge [sflag:s18], $0x1000  }
0x6a: {  	[sflag:s18] =	ssyncset.done $0x0  }
0x6b: {  	[sflag:s18] =	ssyncadd.s32 $0xFFFFF000  }
0x6c: {  	v2 =	vld [tilespmem:s21+$0x0];
	_ =	sdelay $0x4  }
0x6d: {  	(v2sf) =	vpush v2, $0x0;
	_ =	sdelay $0xe  }
0x6e: {  	s26 =	spop (v2sf)  }
0x6f: {  	s25 =	sshll.u32 s25, $0xC;
	s26 =	sand.u32 $0x7F, s26  }
0x70: {  	s25 =	sor.u32 s25, s26  }
0x71: {  	v2 =	vor.u32 s25, v0;
	v3 =	vor.u32 s25, v1;
	_ =	sdelay $0x1  }
.Ltmp1:
0x72: {  	(pc) =	sbr.rel @p0 .LBB2_4-.Ltmp1, $3  }
0x73: {  	_ =	sdelay $0x1  }
0x74: {  	v2 =	vld.idx.msk [tilespmem:v2+s10+$0x0], $0xffff  }
0x75: {  	v3 =	vld.idx.msk [tilespmem:v3+s10+$0x0], $0xffff  }
0x76: {  	_ =	sdelay $0x1  }
0x77: {  	s20 =	sadd.s32 $0x1, s20  }
0x78: {  	p0 =	sne.s32 s20, s6;
	[tilespmem:s22+$0xFFFFFFF0] =	vst v2  }
.Ltmp2:
0x79: {  	[tilespmem:s22+$0x0] =	vst v3;
	(pc) =	sbr.rel @p0 .LBB2_1-.Ltmp2, $4  }
0x7a: {  	[hbm4b:s5+s3] =	stream.linear.scatter [tilespmem:s19], [sflag:$0x2], $0x4000, $0x38;
	[tilespmem:$0xC280] =	vst v63  }
0x7b: {  	_ =	swait.ge [sflag:s7], $0x4000  }
0x7c: {  	[sflag:s7] =	ssyncset.done $0x0  }
0x7d: {  	[sflag:s7] =	ssyncadd.s32 $0xFFFFC000  }
0x7e: {  	_ =	sfence.sel $0x180000  }
0x7f: {  	[bflag:$0x0] =	sbarrier.arrive $0xFFFF  }
0x80: {  	p0 =	sne.s32 s2, $0x0;
	_ =	strace $0x90000047  }
0x81: {  	s0 =	sadd.s32 @!p0 $0x100000, s0;
	[bflag:$0x2] =	sbarrier.arrive $0xFFFF  }
0x82: {  	[sflag:s0] =	ssyncadd.tile.s32 @!p0 $0x1;
	_ =	shalt  }
.Lfunc_end2:
_tile_overlayer_lowered:
.L_overlay_start_2:
0x83: {  	(tag) =	ssettag $0x2  }
0x84: {  	s0 =	rddreg [dreg:$0x0];
	s2 =	stileid.u32  }
0x85: {  	s1 =	rddreg [dreg:$0x1];
	p0 =	sne.s32 s2, $0x0  }
0x86: {  	s3 =	rddreg [dreg:$0x2];
	[bflag:$0x3] =	sbarrier.arrive $0xFFFF;
	s2 =	simm.s32 @!p0 $0x1C02  }
0x87: {  	[timem:s3], [sflag:s2] =	dma.local @!p0 [hbm:s0], s1  }
0x88: {  	s0 =	simm.s32 @!p0 $0x2  }
0x89: {  	_ =	swait.ge @!p0 [sflag:s0], s1  }
0x8a: {  	s1 =	ssub.s32 @!p0 $0x0, s1;
	[sflag:s0] =	ssyncset.done @!p0 $0x0  }
0x8b: {  	[sflag:s0] =	ssyncadd.s32 @!p0 s1  }
0x8c: {  	[bflag:$0x3] =	sbarrier.arrive $0xFFFF  }
0x8d: {  	_ =	shalt  }

// kernel: kernel.7.cloned.1.call-start
scs
__scs_entry_jumppad:
0x0: {  	(pc) =	sbr.rel $0x88, $3  }
0x1: {  	(tag) =	ssettag $0x0;
	lr =	simm.s32 $0x1  }
0x2: {  	[smem:$0x3F9B] =	sst lr;
	_ =	strace $0xD0000000  }
0x3: {  	_ = 	snop  }
0x4: {  	_ = 	snop  }
0x5: {  	_ = 	snop  }
0x6: {  	_ = 	snop  }
0x7: {  	_ = 	snop  }
__scs_overlays_trampoline_lowered:
0x8: {  	[smem:$0x3FAA] =	sst s0  }
0x9: {  	[smem:$0x3FAB] =	sst s1  }
0xa: {  	[smem:$0x3FAC] =	sst s2  }
0xb: {  	[smem:$0x3FAD] =	sst s3  }
0xc: {  	[smem:$0x3FAE] =	sst s4  }
0xd: {  	[smem:$0x3FAF] =	sst s5  }
0xe: {  	[smem:$0x3FB0] =	sst s6  }
0xf: {  	[smem:$0x3FB1] =	sst s7  }
0x10: {  	[smem:$0x3FB2] =	sst s8  }
0x11: {  	[smem:$0x3FB3] =	sst s9;
	s0 =	simm.s32 @!p0 $0x0  }
0x12: {  	s1 =	sld [smem:$0x3F99];
	s0 =	simm.s32 @p0 $0x1  }
0x13: {  	[smem:$0x3FB4] =	sst s0;
	s0 =	simm.s32 @!p1 $0x0  }
0x14: {  	s2 =	sld [smem:$0x3F98];
	s0 =	simm.s32 @p1 $0x1  }
0x15: {  	[smem:$0x3FB5] =	sst s0;
	s0 =	simm.s32 @!p2 $0x0  }
0x16: {  	s3 =	sld [smem:$0x3FDB];
	s0 =	simm.s32 @p2 $0x1  }
0x17: {  	s4 =	simm.s32 $0x1BF5;
	[smem:$0x3FB7] =	sst s0  }
0x18: {  	s0 =	sld [smem:$0x3F9A];
	_ =	swait.ge [sflag:s4], $0x0  }
0x19: {  	s7 =	sld [smem:$0x3F9B]  }
0x1a: {  	s8 =	sadd.s32 $0xFFFFE003, lr  }
0x1b: {  	s9 =	sadd.s32 $0xFFFFFEF7, lr;
	s5 =	simm.s32 $0xFFFFFFFF;
	p2 =	slt.u32 s8, $0xFFFFF086  }
0x1c: {  	p1 =	slt.u32 s9, $0xF7A;
	s5 =	simm.s32 @!p2 $0x0  }
0x1d: {  	s5 =	simm.s32 @p1 $0x1;
	p0 =	seq.s32 s7, s2  }
0x1e: {  	s7 =	smul.u32 @!p0 $0xF7A, s2;
	p2 =	seq.s32 @!p0 s5, $0x0  }
0x1f: {  	s9 =	smul.u32 $0xF7A, s1;
	s8 =	simm.s32 @!p0 $0x1BF5;
	p2 =	por !p2, p0  }
0x20: {  	[sflag:s8] =	ssyncset.s32 @!p0 $0xFFFFF086;
	s6 =	sadd.s32 @!p0 s3, s7;
	s7 =	simm.s32 @!p0 $0x108  }
0x21: {  	s3 =	sadd.s32 s3, s9;
	s6 =	sadd.s32 @!p0 $0x88, s6;
	s7 =	simm.s32 @p2 $0x1082  }
0x22: {  	[simem:s7], [sflag:s8] =	dma.local @!p0 [hbm:s6], $0xF7A  }
0x23: {  	s9 =	sor.u32 $0xD0000000, s2;
	s6 =	simm.s32 $0x108;
	_ =	swait.ge @!p0 [sflag:s8], $0x0  }
0x24: {  	s3 =	sadd.s32 $0x88, s3;
	s6 =	simm.s32 @!p1 $0x1082;
	[sflag:s4] =	ssyncset.s32 $0xFFFFF086  }
0x25: {  	[simem:s6], [sflag:s4] =	dma.local [hbm:s3], $0xF7A  }
0x26: {  	[smem:$0x3F9B] =	sst s1;
	(tag) =	ssettag s2;
	_ =	strace s9  }
0x27: {  	s1 =	sld [smem:$0x3FAB]  }
0x28: {  	s2 =	sld [smem:$0x3FAC]  }
0x29: {  	s4 =	sld [smem:$0x3FAE]  }
0x2a: {  	p0 =	seq.s32 s5, $0x0;
	s5 =	sld [smem:$0x3FAF]  }
0x2b: {  	s6 =	sld [smem:$0x3FB0]  }
0x2c: {  	s7 =	sld [smem:$0x3FB1]  }
0x2d: {  	s3 =	simm.s32 $0x108;
	s8 =	sld [smem:$0x3FB2]  }
0x2e: {  	s3 =	simm.s32 @!p0 $0x1082;
	s9 =	sld [smem:$0x3FB3]  }
0x2f: {  	lr =	sadd.s32 s0, s3;
	s0 =	sld [smem:$0x3FAA]  }
0x30: {  	s3 =	sld [smem:$0x3FAD]  }
0x31: {  	[smem:$0x3FB6] =	sst s10  }
0x32: {  	s10 =	sld [smem:$0x3FB4];
	_ =	sdelay $0x3  }
0x33: {  	p0 =	seq.s32 s10, $0x1;
	s10 =	sld [smem:$0x3FB6];
	_ =	sdelay $0x3  }
0x34: {  	[smem:$0x3FB6] =	sst s10  }
0x35: {  	s10 =	sld [smem:$0x3FB5];
	_ =	sdelay $0x3  }
0x36: {  	p1 =	seq.s32 s10, $0x1;
	s10 =	sld [smem:$0x3FB6];
	_ =	sdelay $0x3  }
0x37: {  	[smem:$0x3FB6] =	sst s10  }
0x38: {  	s10 =	sld [smem:$0x3FB7]  }
0x39: {  	_ = 	snop;
	(pc) =	sbr.ind lr, $3  }
0x3a: {  	_ = 	snop  }
0x3b: {  	_ = 	snop  }
0x3c: {  	p2 =	seq.s32 s10, $0x1;
	s10 =	sld [smem:$0x3FB6]  }
0x3d: {  	_ =	shalt  }
0x3e: {  	_ =	shalt  }
0x3f: {  	_ =	shalt  }
0x40: {  	_ =	shalt  }
0x41: {  	_ =	shalt  }
0x42: {  	_ =	shalt  }
0x43: {  	_ =	shalt  }
0x44: {  	_ =	shalt  }
0x45: {  	_ =	shalt  }
0x46: {  	_ =	shalt  }
0x47: {  	_ =	shalt  }
0x48: {  	_ =	shalt  }
0x49: {  	_ =	shalt  }
0x4a: {  	_ =	shalt  }
0x4b: {  	_ =	shalt  }
0x4c: {  	_ =	shalt  }
0x4d: {  	_ =	shalt  }
0x4e: {  	_ =	shalt  }
0x4f: {  	_ =	shalt  }
0x50: {  	_ =	shalt  }
0x51: {  	_ =	shalt  }
0x52: {  	_ =	shalt  }
0x53: {  	_ =	shalt  }
0x54: {  	_ =	shalt  }
0x55: {  	_ =	shalt  }
0x56: {  	_ =	shalt  }
0x57: {  	_ =	shalt  }
0x58: {  	_ =	shalt  }
0x59: {  	_ =	shalt  }
0x5a: {  	_ =	shalt  }
0x5b: {  	_ =	shalt  }
0x5c: {  	_ =	shalt  }
0x5d: {  	_ =	shalt  }
0x5e: {  	_ =	shalt  }
0x5f: {  	_ =	shalt  }
0x60: {  	_ =	shalt  }
0x61: {  	_ =	shalt  }
0x62: {  	_ =	shalt  }
0x63: {  	_ =	shalt  }
0x64: {  	_ =	shalt  }
0x65: {  	_ =	shalt  }
0x66: {  	_ =	shalt  }
0x67: {  	_ =	shalt  }
0x68: {  	_ =	shalt  }
0x69: {  	_ =	shalt  }
0x6a: {  	_ =	shalt  }
0x6b: {  	_ =	shalt  }
0x6c: {  	_ =	shalt  }
0x6d: {  	_ =	shalt  }
0x6e: {  	_ =	shalt  }
0x6f: {  	_ =	shalt  }
0x70: {  	_ =	shalt  }
0x71: {  	_ =	shalt  }
0x72: {  	_ =	shalt  }
0x73: {  	_ =	shalt  }
0x74: {  	_ =	shalt  }
0x75: {  	_ =	shalt  }
0x76: {  	_ =	shalt  }
0x77: {  	_ =	shalt  }
0x78: {  	_ =	shalt  }
0x79: {  	_ =	shalt  }
0x7a: {  	_ =	shalt  }
0x7b: {  	_ =	shalt  }
0x7c: {  	_ =	shalt  }
0x7d: {  	_ =	shalt  }
0x7e: {  	_ =	shalt  }
0x7f: {  	_ =	shalt  }
0x80: {  	_ =	shalt  }
0x81: {  	_ =	shalt  }
0x82: {  	_ =	shalt  }
0x83: {  	_ =	shalt  }
0x84: {  	_ =	shalt  }
0x85: {  	_ =	shalt  }
0x86: {  	_ =	shalt  }
0x87: {  	_ =	shalt  }
.Lfunc_end0:
.L_simem_size_0:
called_computation.1_lowered:
.L_overlay_start_0:
0x88: {  	s2 =	sld [smem:$0x3FD9]  }
0x89: {  	s3 =	sld [smem:$0x3FFE];
	_ =	sdelay $0x1  }
0x8a: {  	s1 =	srdreg.scid  }
0x8b: {  	s0 =	sand.u32 $0x1, s1  }
0x8c: {  	s17 =	sshll.u32 s0, $0xA;
	s2 =	sadd.s32 s3, s2  }
0x8d: {  	s2 =	sadd.s32 s2, s17  }
0x8e: {  	[smem:$0x3FC2] =	sst s2  }
0x8f: {  	_ = 	snop  }
0x90: {  	s2 =	sld [smem:$0x3FC8]  }
0x91: {  	s18 =	sld [smem:$0x3FD0];
	(tm) =	ssettm $0x1  }
0x92: {  	s4 =	sld [smem:$0x3FFB];
	_ =	sdelay $0x3  }
0x93: {  	_ =	strace s4  }
0x94: {  	s4 =	sld [smem:$0x3FFC];
	_ =	sdelay $0x3  }
0x95: {  	_ =	strace s4  }
0x96: {  	s4 =	sld [smem:$0x3FFD];
	_ =	sdelay $0x3  }
0x97: {  	_ =	strace s4  }
0x98: {  	_ =	strace $0x8FFFFFFF  }
0x99: {  	s19 =	sld [smem:$0x3FDB];
	_ =	sdelay $0x1  }
0x9a: {  	s5 =	simm.s32 $_scs_section_size  }
0x9b: {  	s6 =	simm.s32 $_size__tile_overlayer_lowered;
	s7 =	simm.s32 $_tile_overlayer_lowered  }
0x9c: {  	s22 =	simm.s32 $0x1BFF;
	s21 =	sshll.u32 s7, $0x1;
	s4 =	sadd.s32 s5, s19  }
0x9d: {  	s8 =	simm.s32 $0x0;
	s20 =	sshll.u32 s6, $0x1;
	s6 =	sadd.s32 s21, s4  }
0x9e: {  	[timem:s8], [sflag:s22] =	dma.local [hbm:s6], s20  }
0x9f: {  	_ =	swait.ge [sflag:s22], s20  }
0xa0: {  	s5 =	ssub.s32 $0x0, s20;
	[sflag:s22] =	ssyncset.done $0x0  }
0xa1: {  	[sflag:s22] =	ssyncadd.s32 s5;
	_ =	sdelay $0x1  }
0xa2: {  	s23 =	simm.s32 $0x1B8B  }
0xa3: {  	_ =	swait.ge [sflag:s23], $0x1  }
0xa4: {  	[sflag:s23] =	ssyncset.done $0x0  }
0xa5: {  	s25 =	simm.s32 $0x1B8E;
	s24 =	sld [smem:$0x3FFE];
	[sflag:s23] =	ssyncadd.s32 $0xFFFFFFFF  }
0xa6: {  	s26 =	simm.s32 $execute0_lowered;
	[smem:$0x3FD2] =	sst s25  }
0xa7: {  	s6 =	sshll.u32 s26, $0x1;
	_ =	strace $0x80000049;
	[dreg:$0x1] =	wrdreg $0xFFFFFFFF  }
0xa8: {  	s28 =	simm.s32 $_size_execute0_lowered;
	s4 =	sadd.s32 s4, s6;
	[dreg:$0x0] =	wrdreg $0x0  }
0xa9: {  	s6 =	sshll.u32 s28, $0x1;
	[dreg:$0x2] =	wrdreg s4  }
0xaa: {  	[dreg:$0x3] =	wrdreg s6  }
0xab: {  	[dreg:$0x4] =	wrdreg $0xC0  }
0xac: {  	_ =	task [dreg:s8], $0x5FFFF  }
0xad: {  	[dreg:$0x1] =	wrdreg $0xFFFFFFFF  }
0xae: {  	[dreg:$0x0] =	wrdreg $0x60  }
0xaf: {  	[dreg:$0x2] =	wrdreg s24  }
0xb0: {  	[dreg:$0x3] =	wrdreg s2  }
0xb1: {  	[dreg:$0x4] =	wrdreg s18  }
0xb2: {  	[dreg:$0x5] =	wrdreg $0x9  }
0xb3: {  	_ =	task.clear_ibuf [dreg:s8], $0x6FFFF;
	_ =	strace $0x90000049  }
0xb4: {  	s29 =	simm.s32 $0x9;
	_ =	strace $0x8000004B  }
0xb5: {  	_ =	swait.ge [sflag:s29], $0x1  }
0xb6: {  	[sflag:s29] =	ssyncadd.s32 $0xFFFFFFFF  }
0xb7: {  	_ =	strace $0x9000004B  }
0xb8: {  	_ =	sfence  }
0xb9: {  	s30 =	sld [smem:$0x0];
	_ =	sdelay $0x2  }
0xba: {  	s31 =	sshll.u32 s1, $0xD;
	s1 =	sshrl.u32 s1, $0x2  }
0xbb: {  	s3 =	sand.u32 $0x4000, s31;
	s1 =	sadd.s32 s1, s30  }
0xbc: {  	s0 =	sor.u32 s3, s0;
	s1 =	sshll.u32 s1, $0x11  }
0xbd: {  	s0 =	sor.u32 s1, s0  }
0xbe: {  	s0 =	sadd.s32 $0x8F2B, s0  }
0xbf: {  	[sflag:s0] =	ssyncadd.remote.s32 $0x1  }
0xc0: {  	_ =	sfence.sel $0xFFFF  }
0xc1: {  	[dreg:$0x0] =	wrdreg $0xFFFFFFFF;
	(pc) =	sbr.abs _section_cstart, $3  }
0xc2: {  	[dreg:$0x1] =	wrdreg $0xFFFFFFFF  }
0xc3: {  	_ =	task.clear_ibuf [dreg:s8], $0x2FFFF;
	_ =	strace $0x9FFFFFFF  }
0xc4: {  	(tm) =	ssettm $0x7FFFFFFF  }
0xc5: {  	_ =	shalt  }
tec
execute0_lowered:
.L_overlay_start_1:
0x0: {  	(tag) =	ssettag $0x1  }
0x1: {  	s4 =	rddreg [dreg:$0x0]  }
0x2: {  	s5 =	rddreg [dreg:$0x1]  }
0x3: {  	s7 =	rddreg [dreg:$0x2]  }
0x4: {  	s0 =	rddreg [dreg:$0x3]  }
0x5: {  	s3 =	srdreg.scid;
	s1 =	stileid.u32;
	s2 =	simm.s32 $0x0  }
0x6: {  	s11 =	simm.s32 $0x4200;
	s12 =	simm.s32 $0x80;
	s13 =	simm.s32 $0x200  }
0x7: {  	s14 =	simm.s32 $0x1200;
	s15 =	simm.s32 $0x100;
	s16 =	simm.s32 $0x2200  }
0x8: {  	s17 =	simm.s32 $0x180;
	s18 =	simm.s32 $0x3200;
	s19 =	simm.s32 $0x1  }
0x9: {  	s20 =	simm.s32 $0x8410;
	s21 =	simm.s32 $0x0;
	s6 =	sand.u32 $0x1, s3  }
0xa: {  	s31 =	sshll.u32 s1, $0x1;
	[smem:$0x7FF] =	sst s2;
	s3 =	sadd.s32 $0x197600, s4  }
0xb: {  	s8 =	sor.u32 s6, s31;
	_ =	strace $0x8000004A;
	s6 =	ssub.s32 $0x2, s6  }
0xc: {  	s9 =	sshll.u32 s8, $0xB;
	s10 =	sshrl.u32 s6, $0x1;
	s8 =	sshll.u32 s8, $0x6  }
0xd: {  	v0 =	vlaneseq.u32;
	s9 =	sadd.s32 s9, s4;
	s4 =	sadd.s32 $0x10C00, s4;
	s10 =	ssub.s32 s6, s10  }
0xe: {  	v0 =	vmul.u32 $0x20, v0;
	s5 =	sadd.s32 s5, s8;
	s7 =	sadd.s32 s7, s8;
	s6 =	sadd.s32 $0xC00, s9  }
0xf: {  	s8 =	smax.u32 s10, $0x1;
	s9 =	simm.s32 $0x8200;
	s10 =	simm.s32 $0x2  }
.LBB2_1:
0x10: {  	[tilespmem:s9], [sflag:$0x2] =	stream.linear.gather [hbm4b:s4+s2], $0x210, $0x38;
	[tilespmem:$0x8610] =	vst v63  }
0x11: {  	_ =	swait.ge [sflag:s10], $0x210  }
0x12: {  	[sflag:s10] =	ssyncset.done $0x0  }
0x13: {  	[sflag:s10] =	ssyncadd.s32 $0xFFFFFDF0  }
0x14: {  	[tilespmem:s2], [sflag:$0x2] =	stream.linear.gather [hbm4b:s5+s2], $0x200, $0x38;
	[tilespmem:$0x8610] =	vst v63  }
0x15: {  	_ =	swait.ge [sflag:s10], $0x200  }
0x16: {  	[sflag:s10] =	ssyncset.done $0x0  }
0x17: {  	[sflag:s10] =	ssyncadd.s32 $0xFFFFFE00  }
0x18: {  	[tilespmem:s11], [sflag:$0x2] =	stream.linear.gather [hbm4b:s6+s2], $0x4000, $0x38;
	[tilespmem:$0x8610] =	vst v63  }
0x19: {  	_ =	swait.ge [sflag:s10], $0x4000  }
0x1a: {  	[sflag:s10] =	ssyncset.done $0x0  }
0x1b: {  	[sflag:s10] =	ssyncadd.s32 $0xFFFFC000  }
0x1c: {  	[tilespmem:s13], [sflag:$0x1] =	stream.indirect.gather [hbm4b:s3+s12], $0x20, s2, s12, $0xb8;
	[tilespmem:$0x8610] =	vst v63  }
0x1d: {  	_ = 	snop  }
0x1e: {  	[tilespmem:s14], [sflag:$0x1] =	stream.indirect.gather [hbm4b:s3+s12], $0x20, s12, s12, $0xb8;
	[tilespmem:$0x8610] =	vst v63  }
0x1f: {  	_ = 	snop  }
0x20: {  	[tilespmem:s16], [sflag:$0x1] =	stream.indirect.gather [hbm4b:s3+s12], $0x20, s15, s12, $0xb8;
	[tilespmem:$0x8610] =	vst v63  }
0x21: {  	_ = 	snop  }
0x22: {  	[tilespmem:s18], [sflag:$0x1] =	stream.indirect.gather [hbm4b:s3+s12], $0x20, s17, s12, $0xb8;
	[tilespmem:$0x8610] =	vst v63  }
0x23: {  	_ =	swait.ge [sflag:s19], $0x1000  }
0x24: {  	[sflag:s19] =	ssyncset.done $0x0  }
0x25: {  	[sflag:s19] =	ssyncadd.s32 $0xFFFFF000  }
0x26: {  	_ =	swait.ge [sflag:s19], $0x1000  }
0x27: {  	[sflag:s19] =	ssyncset.done $0x0  }
0x28: {  	[sflag:s19] =	ssyncadd.s32 $0xFFFFF000  }
0x29: {  	_ =	swait.ge [sflag:s19], $0x1000  }
0x2a: {  	[sflag:s19] =	ssyncset.done $0x0  }
0x2b: {  	[sflag:s19] =	ssyncadd.s32 $0xFFFFF000  }
0x2c: {  	_ =	swait.ge [sflag:s19], $0x1000  }
0x2d: {  	[sflag:s19] =	ssyncset.done $0x0  }
0x2e: {  	[sflag:s19] =	ssyncadd.s32 $0xFFFFF000  }
0x2f: {  	v31 =	vld [tilespmem:$0x8200]  }
0x30: {  	v30 =	vld [tilespmem:$0x8210]  }
0x31: {  	v29 =	vld [tilespmem:$0x8220]  }
0x32: {  	v28 =	vld [tilespmem:$0x8230]  }
0x33: {  	v27 =	vld [tilespmem:$0x8240]  }
0x34: {  	v26 =	vld [tilespmem:$0x8250]  }
0x35: {  	v25 =	vld [tilespmem:$0x8260]  }
0x36: {  	v24 =	vld [tilespmem:$0x8270]  }
0x37: {  	v23 =	vld [tilespmem:$0x8280]  }
0x38: {  	v22 =	vld [tilespmem:$0x8290]  }
0x39: {  	v21 =	vld [tilespmem:$0x82A0]  }
0x3a: {  	v20 =	vld [tilespmem:$0x82B0]  }
0x3b: {  	v19 =	vld [tilespmem:$0x82C0]  }
0x3c: {  	v18 =	vld [tilespmem:$0x82D0]  }
0x3d: {  	v17 =	vld [tilespmem:$0x82E0]  }
0x3e: {  	v16 =	vld [tilespmem:$0x82F0]  }
0x3f: {  	v15 =	vld [tilespmem:$0x8300]  }
0x40: {  	v14 =	vld [tilespmem:$0x8310]  }
0x41: {  	v13 =	vld [tilespmem:$0x8320]  }
0x42: {  	v12 =	vld [tilespmem:$0x8330]  }
0x43: {  	v11 =	vld [tilespmem:$0x8340]  }
0x44: {  	v10 =	vld [tilespmem:$0x8350]  }
0x45: {  	v9 =	vld [tilespmem:$0x8360]  }
0x46: {  	v8 =	vld [tilespmem:$0x8370]  }
0x47: {  	v7 =	vld [tilespmem:$0x8380]  }
0x48: {  	v1 =	vmov s2;
	v6 =	vld [tilespmem:$0x8390]  }
0x49: {  	v1 =	vshll.u32 v1, $0x5;
	v5 =	vld [tilespmem:$0x83A0]  }
0x4a: {  	v33 =	vor.u32 v0, v1;
	v4 =	vld [tilespmem:$0x83B0]  }
0x4b: {  	v3 =	vld [tilespmem:$0x83C0]  }
0x4c: {  	v34 =	vor.u32 $0x1, v33;
	v2 =	vld [tilespmem:$0x83D0]  }
0x4d: {  	v1 =	vld [tilespmem:$0x83E0]  }
0x4e: {  	v35 =	vor.u32 $0x2, v33;
	v32 =	vld [tilespmem:$0x8400]  }
0x4f: {  	v36 =	vld.idx.msk [tilespmem:v33+s13+$0x0], $0xffff  }
0x50: {  	v38 =	vor.u32 $0x3, v33;
	v37 =	vld.idx.msk [tilespmem:v33+s11+$0x0], $0xffff  }
0x51: {  	v39 =	vld.idx.msk [tilespmem:v34+s11+$0x0], $0xffff  }
0x52: {  	v40 =	vor.u32 $0x4, v33;
	v34 =	vld.idx.msk [tilespmem:v34+s13+$0x0], $0xffff  }
0x53: {  	v41 =	vld.idx.msk [tilespmem:v35+s11+$0x0], $0xffff  }
0x54: {  	v42 =	vor.u32 $0x5, v33;
	v35 =	vld.idx.msk [tilespmem:v35+s13+$0x0], $0xffff  }
0x55: {  	v43 =	vld.idx.msk [tilespmem:v38+s11+$0x0], $0xffff;
	v36 =	vmul.f32 v36, v37  }
0x56: {  	v61 =	vor.u32 $0x6, v33;
	v60 =	vld.idx.msk [tilespmem:v38+s13+$0x0], $0xffff  }
0x57: {  	v44 =	vld.idx.msk [tilespmem:v40+s11+$0x0], $0xffff;
	v34 =	vmul.f32 v34, v39;
	v36 =	vmul.f32 v36, v31  }
0x58: {  	v63 =	vor.u32 $0x7, v33;
	v62 =	vld.idx.msk [tilespmem:v40+s13+$0x0], $0xffff  }
0x59: {  	v45 =	vld.idx.msk [tilespmem:v42+s11+$0x0], $0xffff;
	v35 =	vmul.f32 v35, v41;
	v34 =	vmul.f32 v34, v30;
	v36 =	vadd.f32 v36, v32  }
0x5a: {  	v48 =	vor.u32 $0x8, v33;
	v42 =	vld.idx.msk [tilespmem:v42+s13+$0x0], $0xffff  }
0x5b: {  	v46 =	vld.idx.msk [tilespmem:v61+s11+$0x0], $0xffff;
	v49 =	vmul.f32 v60, v43;
	v35 =	vmul.f32 v35, v29;
	v34 =	vadd.f32 v34, v36  }
0x5c: {  	v50 =	vor.u32 $0x9, v33;
	v38 =	vld.idx.msk [tilespmem:v61+s13+$0x0], $0xffff  }
0x5d: {  	v51 =	vld.idx.msk [tilespmem:v63+s11+$0x0], $0xffff;
	v53 =	vmul.f32 v62, v44;
	v52 =	vmul.f32 v49, v28;
	v34 =	vadd.f32 v35, v34  }
0x5e: {  	v54 =	vor.u32 $0xA, v33;
	v40 =	vld.idx.msk [tilespmem:v63+s13+$0x0], $0xffff  }
0x5f: {  	v55 =	vld.idx.msk [tilespmem:v48+s11+$0x0], $0xffff;
	v57 =	vmul.f32 v42, v45;
	v56 =	vmul.f32 v53, v27;
	v34 =	vadd.f32 v52, v34  }
0x60: {  	v58 =	vor.u32 $0xB, v33;
	v41 =	vld.idx.msk [tilespmem:v48+s13+$0x0], $0xffff  }
0x61: {  	v59 =	vld.idx.msk [tilespmem:v50+s11+$0x0], $0xffff;
	v61 =	vmul.f32 v38, v46;
	v60 =	vmul.f32 v57, v26;
	v34 =	vadd.f32 v56, v34  }
0x62: {  	v62 =	vor.u32 $0xC, v33;
	v37 =	vld.idx.msk [tilespmem:v50+s13+$0x0], $0xffff  }
0x63: {  	v63 =	vld.idx.msk [tilespmem:v54+s11+$0x0], $0xffff;
	v48 =	vmul.f32 v61, v25;
	v49 =	vmul.f32 v40, v51;
	v34 =	vadd.f32 v60, v34  }
0x64: {  	v50 =	vor.u32 $0xD, v33;
	v39 =	vld.idx.msk [tilespmem:v54+s13+$0x0], $0xffff  }
0x65: {  	v42 =	vld.idx.msk [tilespmem:v58+s13+$0x0], $0xffff;
	v53 =	vmul.f32 v41, v55;
	v52 =	vmul.f32 v49, v24;
	v34 =	vadd.f32 v48, v34  }
0x66: {  	v54 =	vor.u32 $0xE, v33;
	v51 =	vld.idx.msk [tilespmem:v58+s11+$0x0], $0xffff  }
0x67: {  	v55 =	vld.idx.msk [tilespmem:v62+s11+$0x0], $0xffff;
	v57 =	vmul.f32 v37, v59;
	v56 =	vmul.f32 v53, v23;
	v34 =	vadd.f32 v52, v34  }
0x68: {  	v58 =	vor.u32 $0xF, v33;
	v38 =	vld.idx.msk [tilespmem:v62+s13+$0x0], $0xffff  }
0x69: {  	v59 =	vld.idx.msk [tilespmem:v50+s11+$0x0], $0xffff;
	v61 =	vmul.f32 v39, v63;
	v60 =	vmul.f32 v57, v22;
	v34 =	vadd.f32 v56, v34  }
0x6a: {  	v62 =	vor.u32 $0x10, v33;
	v40 =	vld.idx.msk [tilespmem:v50+s13+$0x0], $0xffff  }
0x6b: {  	v63 =	vld.idx.msk [tilespmem:v54+s11+$0x0], $0xffff;
	v49 =	vmul.f32 v42, v51;
	v48 =	vmul.f32 v61, v21;
	v34 =	vadd.f32 v60, v34  }
0x6c: {  	v50 =	vor.u32 $0x11, v33;
	v41 =	vld.idx.msk [tilespmem:v54+s13+$0x0], $0xffff  }
0x6d: {  	v37 =	vld.idx.msk [tilespmem:v58+s13+$0x0], $0xffff;
	v53 =	vmul.f32 v38, v55;
	v52 =	vmul.f32 v49, v20;
	v34 =	vadd.f32 v48, v34  }
0x6e: {  	v54 =	vor.u32 $0x12, v33;
	v51 =	vld.idx.msk [tilespmem:v58+s11+$0x0], $0xffff  }
0x6f: {  	v39 =	vld.idx.msk [tilespmem:v62+s13+$0x0], $0xffff;
	v57 =	vmul.f32 v40, v59;
	v56 =	vmul.f32 v53, v19;
	v34 =	vadd.f32 v52, v34  }
0x70: {  	v58 =	vor.u32 $0x13, v33;
	v55 =	vld.idx.msk [tilespmem:v62+s11+$0x0], $0xffff  }
0x71: {  	v42 =	vld.idx.msk [tilespmem:v50+s13+$0x0], $0xffff;
	v61 =	vmul.f32 v41, v63;
	v60 =	vmul.f32 v57, v18;
	v34 =	vadd.f32 v56, v34  }
0x72: {  	v62 =	vor.u32 $0x14, v33;
	v59 =	vld.idx.msk [tilespmem:v50+s11+$0x0], $0xffff  }
0x73: {  	v38 =	vld.idx.msk [tilespmem:v54+s13+$0x0], $0xffff;
	v49 =	vmul.f32 v37, v51;
	v48 =	vmul.f32 v61, v17;
	v34 =	vadd.f32 v60, v34  }
0x74: {  	v50 =	vor.u32 $0x15, v33;
	v63 =	vld.idx.msk [tilespmem:v54+s11+$0x0], $0xffff  }
0x75: {  	v40 =	vld.idx.msk [tilespmem:v58+s13+$0x0], $0xffff;
	v53 =	vmul.f32 v39, v55;
	v52 =	vmul.f32 v49, v16;
	v34 =	vadd.f32 v48, v34  }
0x76: {  	v54 =	vor.u32 $0x16, v33;
	v51 =	vld.idx.msk [tilespmem:v58+s11+$0x0], $0xffff  }
0x77: {  	v41 =	vld.idx.msk [tilespmem:v62+s13+$0x0], $0xffff;
	v57 =	vmul.f32 v42, v59;
	v56 =	vmul.f32 v53, v15;
	v34 =	vadd.f32 v52, v34  }
0x78: {  	v58 =	vor.u32 $0x17, v33;
	v55 =	vld.idx.msk [tilespmem:v62+s11+$0x0], $0xffff  }
0x79: {  	v37 =	vld.idx.msk [tilespmem:v50+s13+$0x0], $0xffff;
	v61 =	vmul.f32 v38, v63;
	v60 =	vmul.f32 v57, v14;
	v34 =	vadd.f32 v56, v34  }
0x7a: {  	v62 =	vor.u32 $0x18, v33;
	v59 =	vld.idx.msk [tilespmem:v50+s11+$0x0], $0xffff  }
0x7b: {  	v39 =	vld.idx.msk [tilespmem:v54+s13+$0x0], $0xffff;
	v49 =	vmul.f32 v40, v51;
	v48 =	vmul.f32 v61, v13;
	v34 =	vadd.f32 v60, v34  }
0x7c: {  	v50 =	vor.u32 $0x19, v33;
	v63 =	vld.idx.msk [tilespmem:v54+s11+$0x0], $0xffff  }
0x7d: {  	v42 =	vld.idx.msk [tilespmem:v58+s13+$0x0], $0xffff;
	v53 =	vmul.f32 v41, v55;
	v52 =	vmul.f32 v49, v12;
	v34 =	vadd.f32 v48, v34  }
0x7e: {  	v54 =	vor.u32 $0x1A, v33;
	v51 =	vld.idx.msk [tilespmem:v58+s11+$0x0], $0xffff  }
0x7f: {  	v38 =	vld.idx.msk [tilespmem:v62+s13+$0x0], $0xffff;
	v57 =	vmul.f32 v37, v59;
	v56 =	vmul.f32 v53, v11;
	v34 =	vadd.f32 v52, v34  }
0x80: {  	v58 =	vor.u32 $0x1B, v33;
	v55 =	vld.idx.msk [tilespmem:v62+s11+$0x0], $0xffff  }
0x81: {  	v40 =	vld.idx.msk [tilespmem:v50+s13+$0x0], $0xffff;
	v61 =	vmul.f32 v39, v63;
	v60 =	vmul.f32 v57, v10;
	v34 =	vadd.f32 v56, v34  }
0x82: {  	v62 =	vor.u32 $0x1C, v33;
	v59 =	vld.idx.msk [tilespmem:v50+s11+$0x0], $0xffff  }
0x83: {  	v41 =	vld.idx.msk [tilespmem:v54+s13+$0x0], $0xffff;
	v47 =	vmul.f32 v61, v9;
	v48 =	vmul.f32 v42, v51;
	v34 =	vadd.f32 v60, v34  }
0x84: {  	v63 =	vld.idx.msk [tilespmem:v54+s11+$0x0], $0xffff;
	v49 =	vor.u32 $0x1D, v33  }
0x85: {  	v50 =	vld.idx.msk [tilespmem:v58+s11+$0x0], $0xffff;
	v51 =	vmul.f32 v48, v8;
	v52 =	vmul.f32 v38, v55;
	v34 =	vadd.f32 v47, v34  }
0x86: {  	v37 =	vld.idx.msk [tilespmem:v58+s13+$0x0], $0xffff;
	v53 =	vor.u32 $0x1E, v33  }
0x87: {  	v54 =	vld.idx.msk [tilespmem:v62+s11+$0x0], $0xffff;
	v55 =	vmul.f32 v52, v7;
	v56 =	vmul.f32 v40, v59;
	v34 =	vadd.f32 v51, v34  }
0x88: {  	v39 =	vld.idx.msk [tilespmem:v62+s13+$0x0], $0xffff;
	v33 =	vor.u32 $0x1F, v33  }
0x89: {  	v57 =	vld.idx.msk [tilespmem:v49+s11+$0x0], $0xffff;
	v59 =	vmul.f32 v41, v63;
	v58 =	vmul.f32 v56, v6;
	v34 =	vadd.f32 v55, v34  }
0x8a: {  	v60 =	vld.idx.msk [tilespmem:v49+s13+$0x0], $0xffff  }
0x8b: {  	v61 =	vld.idx.msk [tilespmem:v53+s11+$0x0], $0xffff;
	v63 =	vmul.f32 v37, v50;
	v62 =	vmul.f32 v59, v5;
	v34 =	vadd.f32 v58, v34  }
0x8c: {  	v43 =	vld.idx.msk [tilespmem:v53+s13+$0x0], $0xffff  }
0x8d: {  	v45 =	vld.idx.msk [tilespmem:v33+s11+$0x0], $0xffff;
	v46 =	vmul.f32 v63, v4;
	v47 =	vmul.f32 v39, v54;
	v34 =	vadd.f32 v62, v34  }
0x8e: {  	v48 =	vld.idx.msk [tilespmem:v33+s13+$0x0], $0xffff  }
0x8f: {  	v49 =	vmul.f32 v47, v3;
	v50 =	vmul.f32 v60, v57;
	v34 =	vadd.f32 v46, v34  }
0x90: {  	v33 =	vld [tilespmem:$0x83F0]  }
0x91: {  	s22 =	simm.s32 $0x10;
	v52 =	vmul.f32 v43, v61;
	v51 =	vmul.f32 v50, v2;
	v34 =	vadd.f32 v49, v34  }
0x92: {  	v53 =	vmov s22  }
0x93: {  	v38 =	vmul.f32 v48, v45;
	v36 =	vmul.f32 v52, v1;
	v35 =	vadd.f32 v51, v34  }
0x94: {  	v54 =	vshll.u32 v53, $0x5  }
0x95: {  	v55 =	vmul.f32 v38, v33;
	v34 =	vor.u32 v0, v54;
	v35 =	vadd.f32 v36, v35;
	_ =	sdelay $0x1  }
0x96: {  	v56 =	vor.u32 $0x1, v34;
	v35 =	vadd.f32 v55, v35;
	_ =	sdelay $0x1  }
0x97: {  	v57 =	vor.u32 $0x2, v34;
	[tilespmem:s20+$0x0] =	vst v35  }
0x98: {  	v35 =	vld.idx.msk [tilespmem:v34+s13+$0x0], $0xffff  }
0x99: {  	v59 =	vor.u32 $0x3, v34;
	v58 =	vld.idx.msk [tilespmem:v34+s11+$0x0], $0xffff  }
0x9a: {  	v60 =	vld.idx.msk [tilespmem:v56+s11+$0x0], $0xffff  }
0x9b: {  	v61 =	vor.u32 $0x4, v34;
	v37 =	vld.idx.msk [tilespmem:v56+s13+$0x0], $0xffff  }
0x9c: {  	v62 =	vld.idx.msk [tilespmem:v57+s11+$0x0], $0xffff  }
0x9d: {  	v63 =	vor.u32 $0x5, v34;
	v36 =	vld.idx.msk [tilespmem:v57+s13+$0x0], $0xffff  }
0x9e: {  	v48 =	vld.idx.msk [tilespmem:v59+s11+$0x0], $0xffff  }
0x9f: {  	v50 =	vor.u32 $0x6, v34;
	v49 =	vld.idx.msk [tilespmem:v59+s13+$0x0], $0xffff;
	v35 =	vmul.f32 v35, v58  }
0xa0: {  	v51 =	vld.idx.msk [tilespmem:v61+s11+$0x0], $0xffff  }
0xa1: {  	v53 =	vor.u32 $0x7, v34;
	v52 =	vld.idx.msk [tilespmem:v61+s13+$0x0], $0xffff;
	v37 =	vmul.f32 v37, v60;
	v35 =	vmul.f32 v35, v31  }
0xa2: {  	v55 =	vor.u32 $0x8, v34;
	v54 =	vld.idx.msk [tilespmem:v63+s11+$0x0], $0xffff  }
0xa3: {  	v43 =	vld.idx.msk [tilespmem:v63+s13+$0x0], $0xffff;
	v36 =	vmul.f32 v36, v62;
	v37 =	vmul.f32 v37, v30;
	v35 =	vadd.f32 v35, v32  }
0xa4: {  	v47 =	vld.idx.msk [tilespmem:v50+s11+$0x0], $0xffff;
	v57 =	vor.u32 $0x9, v34  }
0xa5: {  	v39 =	vld.idx.msk [tilespmem:v50+s13+$0x0], $0xffff;
	v56 =	vmul.f32 v49, v48;
	v36 =	vmul.f32 v36, v29;
	v35 =	vadd.f32 v37, v35  }
0xa6: {  	v61 =	vor.u32 $0xA, v34;
	v41 =	vld.idx.msk [tilespmem:v53+s13+$0x0], $0xffff  }
0xa7: {  	v42 =	vld.idx.msk [tilespmem:v55+s13+$0x0], $0xffff;
	v60 =	vmul.f32 v52, v51;
	v59 =	vmul.f32 v56, v28;
	v35 =	vadd.f32 v36, v35  }
0xa8: {  	v58 =	vld.idx.msk [tilespmem:v53+s11+$0x0], $0xffff;
	v48 =	vmul.f32 v43, v54  }
0xa9: {  	v62 =	vld.idx.msk [tilespmem:v55+s11+$0x0], $0xffff;
	v49 =	vor.u32 $0xB, v34;
	v63 =	vmul.f32 v60, v27;
	v35 =	vadd.f32 v59, v35  }
0xaa: {  	v50 =	vld.idx.msk [tilespmem:v57+s11+$0x0], $0xffff;
	v52 =	vmul.f32 v39, v47  }
0xab: {  	v53 =	vor.u32 $0xC, v34;
	v38 =	vld.idx.msk [tilespmem:v57+s13+$0x0], $0xffff;
	v51 =	vmul.f32 v48, v26;
	v35 =	vadd.f32 v63, v35  }
0xac: {  	v54 =	vld.idx.msk [tilespmem:v61+s11+$0x0], $0xffff;
	v57 =	vor.u32 $0xD, v34  }
0xad: {  	v40 =	vld.idx.msk [tilespmem:v61+s13+$0x0], $0xffff;
	v55 =	vmul.f32 v52, v25;
	v56 =	vmul.f32 v41, v58;
	v35 =	vadd.f32 v51, v35  }
0xae: {  	v61 =	vor.u32 $0xE, v34;
	v58 =	vld.idx.msk [tilespmem:v49+s11+$0x0], $0xffff  }
0xaf: {  	v60 =	vmul.f32 v42, v62;
	v43 =	vld.idx.msk [tilespmem:v49+s13+$0x0], $0xffff;
	v59 =	vmul.f32 v56, v24;
	v35 =	vadd.f32 v55, v35  }
0xb0: {  	v62 =	vld.idx.msk [tilespmem:v53+s11+$0x0], $0xffff;
	v48 =	vmul.f32 v38, v50  }
0xb1: {  	v49 =	vor.u32 $0xF, v34;
	v39 =	vld.idx.msk [tilespmem:v53+s13+$0x0], $0xffff;
	v63 =	vmul.f32 v60, v23;
	v35 =	vadd.f32 v59, v35  }
0xb2: {  	v50 =	vld.idx.msk [tilespmem:v57+s11+$0x0], $0xffff;
	v52 =	vmul.f32 v40, v54  }
0xb3: {  	v53 =	vor.u32 $0x10, v34;
	v41 =	vld.idx.msk [tilespmem:v57+s13+$0x0], $0xffff;
	v51 =	vmul.f32 v48, v22;
	v35 =	vadd.f32 v63, v35  }
0xb4: {  	v54 =	vld.idx.msk [tilespmem:v61+s11+$0x0], $0xffff;
	v57 =	vor.u32 $0x11, v34  }
0xb5: {  	v42 =	vld.idx.msk [tilespmem:v61+s13+$0x0], $0xffff;
	v56 =	vmul.f32 v43, v58;
	v55 =	vmul.f32 v52, v21;
	v35 =	vadd.f32 v51, v35  }
0xb6: {  	v61 =	vor.u32 $0x12, v34;
	v58 =	vld.idx.msk [tilespmem:v49+s11+$0x0], $0xffff  }
0xb7: {  	v38 =	vld.idx.msk [tilespmem:v49+s13+$0x0], $0xffff;
	v60 =	vmul.f32 v39, v62;
	v59 =	vmul.f32 v56, v20;
	v35 =	vadd.f32 v55, v35  }
0xb8: {  	v49 =	vor.u32 $0x13, v34;
	v40 =	vld.idx.msk [tilespmem:v53+s13+$0x0], $0xffff  }
0xb9: {  	v43 =	vld.idx.msk [tilespmem:v57+s13+$0x0], $0xffff;
	v48 =	vmul.f32 v41, v50;
	v63 =	vmul.f32 v60, v19;
	v35 =	vadd.f32 v59, v35  }
0xba: {  	v62 =	vld.idx.msk [tilespmem:v53+s11+$0x0], $0xffff;
	v53 =	vor.u32 $0x14, v34  }
0xbb: {  	v39 =	vld.idx.msk [tilespmem:v61+s13+$0x0], $0xffff;
	v52 =	vmul.f32 v42, v54;
	v51 =	vmul.f32 v48, v18;
	v35 =	vadd.f32 v63, v35  }
0xbc: {  	v50 =	vld.idx.msk [tilespmem:v57+s11+$0x0], $0xffff;
	v57 =	vor.u32 $0x15, v34  }
0xbd: {  	v41 =	vld.idx.msk [tilespmem:v49+s13+$0x0], $0xffff;
	v56 =	vmul.f32 v38, v58;
	v55 =	vmul.f32 v52, v17;
	v35 =	vadd.f32 v51, v35  }
0xbe: {  	v54 =	vld.idx.msk [tilespmem:v61+s11+$0x0], $0xffff;
	v61 =	vor.u32 $0x16, v34  }
0xbf: {  	v42 =	vld.idx.msk [tilespmem:v53+s13+$0x0], $0xffff;
	v60 =	vmul.f32 v40, v62;
	v59 =	vmul.f32 v56, v16;
	v35 =	vadd.f32 v55, v35  }
0xc0: {  	v58 =	vld.idx.msk [tilespmem:v49+s11+$0x0], $0xffff;
	v49 =	vor.u32 $0x17, v34  }
0xc1: {  	v38 =	vld.idx.msk [tilespmem:v57+s13+$0x0], $0xffff;
	v48 =	vmul.f32 v43, v50;
	v63 =	vmul.f32 v60, v15;
	v35 =	vadd.f32 v59, v35  }
0xc2: {  	v62 =	vld.idx.msk [tilespmem:v53+s11+$0x0], $0xffff;
	v53 =	vor.u32 $0x18, v34  }
0xc3: {  	v40 =	vld.idx.msk [tilespmem:v61+s13+$0x0], $0xffff;
	v52 =	vmul.f32 v39, v54;
	v51 =	vmul.f32 v48, v14;
	v35 =	vadd.f32 v63, v35  }
0xc4: {  	v50 =	vld.idx.msk [tilespmem:v57+s11+$0x0], $0xffff;
	v57 =	vor.u32 $0x19, v34  }
0xc5: {  	v43 =	vld.idx.msk [tilespmem:v49+s13+$0x0], $0xffff;
	v56 =	vmul.f32 v41, v58;
	v55 =	vmul.f32 v52, v13;
	v35 =	vadd.f32 v51, v35  }
0xc6: {  	v54 =	vld.idx.msk [tilespmem:v61+s11+$0x0], $0xffff;
	v61 =	vor.u32 $0x1A, v34  }
0xc7: {  	v39 =	vld.idx.msk [tilespmem:v53+s13+$0x0], $0xffff;
	v60 =	vmul.f32 v42, v62;
	v59 =	vmul.f32 v56, v12;
	v35 =	vadd.f32 v55, v35  }
0xc8: {  	v58 =	vld.idx.msk [tilespmem:v49+s11+$0x0], $0xffff;
	v49 =	vor.u32 $0x1B, v34  }
0xc9: {  	v41 =	vld.idx.msk [tilespmem:v57+s13+$0x0], $0xffff;
	v48 =	vmul.f32 v38, v50;
	v63 =	vmul.f32 v60, v11;
	v35 =	vadd.f32 v59, v35  }
0xca: {  	v62 =	vld.idx.msk [tilespmem:v53+s11+$0x0], $0xffff;
	v53 =	vor.u32 $0x1C, v34  }
0xcb: {  	v42 =	vld.idx.msk [tilespmem:v61+s13+$0x0], $0xffff;
	v52 =	vmul.f32 v40, v54;
	v51 =	vmul.f32 v48, v10;
	v35 =	vadd.f32 v63, v35  }
0xcc: {  	v50 =	vld.idx.msk [tilespmem:v57+s11+$0x0], $0xffff;
	v57 =	vor.u32 $0x1D, v34  }
0xcd: {  	v38 =	vld.idx.msk [tilespmem:v49+s13+$0x0], $0xffff;
	v56 =	vmul.f32 v43, v58;
	v55 =	vmul.f32 v52, v9;
	v35 =	vadd.f32 v51, v35  }
0xce: {  	v54 =	vld.idx.msk [tilespmem:v61+s11+$0x0], $0xffff;
	v61 =	vor.u32 $0x1E, v34  }
0xcf: {  	v40 =	vld.idx.msk [tilespmem:v53+s13+$0x0], $0xffff;
	v60 =	vmul.f32 v39, v62;
	v59 =	vmul.f32 v56, v8;
	v35 =	vadd.f32 v55, v35  }
0xd0: {  	v34 =	vor.u32 $0x1F, v34;
	v58 =	vld.idx.msk [tilespmem:v49+s11+$0x0], $0xffff  }
0xd1: {  	v49 =	vld.idx.msk [tilespmem:v57+s11+$0x0], $0xffff;
	v48 =	vmul.f32 v41, v50;
	v63 =	vmul.f32 v60, v7;
	v35 =	vadd.f32 v59, v35  }
0xd2: {  	v62 =	vld.idx.msk [tilespmem:v53+s11+$0x0], $0xffff  }
0xd3: {  	v39 =	vld.idx.msk [tilespmem:v61+s13+$0x0], $0xffff;
	v50 =	vmul.f32 v48, v6;
	v51 =	vmul.f32 v42, v54;
	v35 =	vadd.f32 v63, v35  }
0xd4: {  	v52 =	vld.idx.msk [tilespmem:v57+s13+$0x0], $0xffff  }
0xd5: {  	v54 =	vmul.f32 v38, v58;
	v58 =	vld.idx.msk [tilespmem:v34+s11+$0x0], $0xffff;
	v53 =	vmul.f32 v51, v5;
	v35 =	vadd.f32 v50, v35  }
0xd6: {  	v55 =	vld.idx.msk [tilespmem:v61+s11+$0x0], $0xffff  }
0xd7: {  	v57 =	vmul.f32 v40, v62;
	v34 =	vld.idx.msk [tilespmem:v34+s13+$0x0], $0xffff;
	v56 =	vmul.f32 v54, v4;
	v35 =	vadd.f32 v53, v35;
	_ =	sdelay $0x1  }
0xd8: {  	v60 =	vmul.f32 v52, v49;
	v59 =	vmul.f32 v57, v3;
	v35 =	vadd.f32 v56, v35;
	_ =	sdelay $0x1  }
0xd9: {  	v61 =	vmul.f32 v60, v2;
	v62 =	vmul.f32 v39, v55;
	v35 =	vadd.f32 v59, v35  }
0xda: {  	s31 =	simm.s32 $0x20;
	v37 =	vmul.f32 v34, v58  }
0xdb: {  	v63 =	vmov s31;
	v36 =	vmul.f32 v62, v1;
	v35 =	vadd.f32 v61, v35  }
0xdc: {  	s23 =	simm.s32 $0x30;
	s22 =	simm.s32 $0x8410;
	v34 =	vshll.u32 v63, $0x5  }
.LBB2_2:
0xdd: {  	p0 =	sne.s32 s23, $0x1F0;
	v34 =	vor.u32 v0, v34;
	v35 =	vadd.f32 v36, v35;
	v36 =	vmul.f32 v37, v33;
	_ =	sdelay $0x1  }
0xde: {  	v37 =	vor.u32 $0x1, v34;
	v35 =	vadd.f32 v36, v35  }
0xdf: {  	s22 =	sadd.s32 $0x10, s22  }
0xe0: {  	v36 =	vor.u32 $0x2, v34;
	[tilespmem:s22+$0x0] =	vst v35  }
0xe1: {  	v35 =	vld.idx.msk [tilespmem:v34+s13+$0x0], $0xffff  }
0xe2: {  	v39 =	vor.u32 $0x3, v34;
	v38 =	vld.idx.msk [tilespmem:v34+s11+$0x0], $0xffff  }
0xe3: {  	v40 =	vld.idx.msk [tilespmem:v37+s11+$0x0], $0xffff  }
0xe4: {  	v41 =	vor.u32 $0x4, v34;
	v37 =	vld.idx.msk [tilespmem:v37+s13+$0x0], $0xffff  }
0xe5: {  	v42 =	vld.idx.msk [tilespmem:v36+s11+$0x0], $0xffff  }
0xe6: {  	v43 =	vor.u32 $0x5, v34;
	v36 =	vld.idx.msk [tilespmem:v36+s13+$0x0], $0xffff  }
0xe7: {  	v44 =	vld.idx.msk [tilespmem:v39+s11+$0x0], $0xffff  }
0xe8: {  	v35 =	vmul.f32 v35, v38;
	v38 =	vld.idx.msk [tilespmem:v39+s13+$0x0], $0xffff;
	v39 =	vor.u32 $0x6, v34  }
0xe9: {  	v45 =	vld.idx.msk [tilespmem:v41+s11+$0x0], $0xffff  }
0xea: {  	v35 =	vmul.f32 v35, v31;
	v37 =	vmul.f32 v37, v40;
	v40 =	vld.idx.msk [tilespmem:v41+s13+$0x0], $0xffff;
	v41 =	vor.u32 $0x7, v34  }
0xeb: {  	v47 =	vor.u32 $0x8, v34;
	v46 =	vld.idx.msk [tilespmem:v43+s11+$0x0], $0xffff  }
0xec: {  	v35 =	vadd.f32 v35, v32;
	v37 =	vmul.f32 v37, v30;
	v36 =	vmul.f32 v36, v42;
	v42 =	vld.idx.msk [tilespmem:v43+s13+$0x0], $0xffff  }
0xed: {  	v48 =	vor.u32 $0x9, v34;
	v43 =	vld.idx.msk [tilespmem:v39+s11+$0x0], $0xffff  }
0xee: {  	v35 =	vadd.f32 v37, v35;
	v36 =	vmul.f32 v36, v29;
	v37 =	vmul.f32 v38, v44;
	v38 =	vld.idx.msk [tilespmem:v39+s13+$0x0], $0xffff  }
0xef: {  	v44 =	vor.u32 $0xA, v34;
	v39 =	vld.idx.msk [tilespmem:v41+s11+$0x0], $0xffff  }
0xf0: {  	v35 =	vadd.f32 v36, v35;
	v36 =	vmul.f32 v37, v28;
	v37 =	vmul.f32 v40, v45;
	v40 =	vld.idx.msk [tilespmem:v41+s13+$0x0], $0xffff  }
0xf1: {  	v45 =	vor.u32 $0xB, v34;
	v41 =	vld.idx.msk [tilespmem:v47+s11+$0x0], $0xffff  }
0xf2: {  	v35 =	vadd.f32 v36, v35;
	v36 =	vmul.f32 v37, v27;
	v37 =	vmul.f32 v42, v46;
	v42 =	vld.idx.msk [tilespmem:v47+s13+$0x0], $0xffff  }
0xf3: {  	v47 =	vor.u32 $0xC, v34;
	v46 =	vld.idx.msk [tilespmem:v48+s11+$0x0], $0xffff  }
0xf4: {  	v35 =	vadd.f32 v36, v35;
	v36 =	vmul.f32 v37, v26;
	v37 =	vmul.f32 v38, v43;
	v38 =	vld.idx.msk [tilespmem:v48+s13+$0x0], $0xffff  }
0xf5: {  	v48 =	vor.u32 $0xD, v34;
	v43 =	vld.idx.msk [tilespmem:v44+s11+$0x0], $0xffff  }
0xf6: {  	v35 =	vadd.f32 v36, v35;
	v36 =	vmul.f32 v37, v25;
	v37 =	vmul.f32 v40, v39;
	v39 =	vld.idx.msk [tilespmem:v44+s13+$0x0], $0xffff  }
0xf7: {  	v44 =	vor.u32 $0xE, v34;
	v40 =	vld.idx.msk [tilespmem:v45+s11+$0x0], $0xffff  }
0xf8: {  	v35 =	vadd.f32 v36, v35;
	v36 =	vmul.f32 v37, v24;
	v37 =	vmul.f32 v42, v41;
	v41 =	vld.idx.msk [tilespmem:v45+s13+$0x0], $0xffff  }
0xf9: {  	v45 =	vor.u32 $0xF, v34;
	v42 =	vld.idx.msk [tilespmem:v47+s11+$0x0], $0xffff  }
0xfa: {  	v35 =	vadd.f32 v36, v35;
	v36 =	vmul.f32 v37, v23;
	v37 =	vmul.f32 v38, v46;
	v38 =	vld.idx.msk [tilespmem:v47+s13+$0x0], $0xffff  }
0xfb: {  	v47 =	vor.u32 $0x10, v34;
	v46 =	vld.idx.msk [tilespmem:v48+s11+$0x0], $0xffff  }
0xfc: {  	v35 =	vadd.f32 v36, v35;
	v36 =	vmul.f32 v37, v22;
	v37 =	vmul.f32 v39, v43;
	v39 =	vld.idx.msk [tilespmem:v48+s13+$0x0], $0xffff  }
0xfd: {  	v48 =	vor.u32 $0x11, v34;
	v43 =	vld.idx.msk [tilespmem:v44+s11+$0x0], $0xffff  }
0xfe: {  	v35 =	vadd.f32 v36, v35;
	v36 =	vmul.f32 v37, v21;
	v37 =	vmul.f32 v41, v40;
	v40 =	vld.idx.msk [tilespmem:v44+s13+$0x0], $0xffff  }
0xff: {  	v44 =	vor.u32 $0x12, v34;
	v41 =	vld.idx.msk [tilespmem:v45+s11+$0x0], $0xffff  }
0x100: {  	v35 =	vadd.f32 v36, v35;
	v36 =	vmul.f32 v37, v20;
	v37 =	vmul.f32 v38, v42;
	v38 =	vld.idx.msk [tilespmem:v45+s13+$0x0], $0xffff  }
0x101: {  	v45 =	vor.u32 $0x13, v34;
	v42 =	vld.idx.msk [tilespmem:v47+s11+$0x0], $0xffff  }
0x102: {  	v35 =	vadd.f32 v36, v35;
	v36 =	vmul.f32 v37, v19;
	v37 =	vmul.f32 v39, v46;
	v39 =	vld.idx.msk [tilespmem:v47+s13+$0x0], $0xffff  }
0x103: {  	v47 =	vor.u32 $0x14, v34;
	v46 =	vld.idx.msk [tilespmem:v48+s11+$0x0], $0xffff  }
0x104: {  	v35 =	vadd.f32 v36, v35;
	v36 =	vmul.f32 v37, v18;
	v37 =	vmul.f32 v40, v43;
	v40 =	vld.idx.msk [tilespmem:v48+s13+$0x0], $0xffff  }
0x105: {  	v48 =	vor.u32 $0x15, v34;
	v43 =	vld.idx.msk [tilespmem:v44+s11+$0x0], $0xffff  }
0x106: {  	v35 =	vadd.f32 v36, v35;
	v36 =	vmul.f32 v37, v17;
	v37 =	vmul.f32 v38, v41;
	v38 =	vld.idx.msk [tilespmem:v44+s13+$0x0], $0xffff  }
0x107: {  	v44 =	vor.u32 $0x16, v34;
	v41 =	vld.idx.msk [tilespmem:v45+s11+$0x0], $0xffff  }
0x108: {  	v35 =	vadd.f32 v36, v35;
	v36 =	vmul.f32 v37, v16;
	v37 =	vmul.f32 v39, v42;
	v39 =	vld.idx.msk [tilespmem:v45+s13+$0x0], $0xffff  }
0x109: {  	v45 =	vor.u32 $0x17, v34;
	v42 =	vld.idx.msk [tilespmem:v47+s11+$0x0], $0xffff  }
0x10a: {  	v35 =	vadd.f32 v36, v35;
	v36 =	vmul.f32 v37, v15;
	v37 =	vmul.f32 v40, v46;
	v40 =	vld.idx.msk [tilespmem:v47+s13+$0x0], $0xffff  }
0x10b: {  	v47 =	vor.u32 $0x18, v34;
	v46 =	vld.idx.msk [tilespmem:v48+s11+$0x0], $0xffff  }
0x10c: {  	v35 =	vadd.f32 v36, v35;
	v36 =	vmul.f32 v37, v14;
	v37 =	vmul.f32 v38, v43;
	v38 =	vld.idx.msk [tilespmem:v48+s13+$0x0], $0xffff  }
0x10d: {  	v48 =	vor.u32 $0x19, v34;
	v43 =	vld.idx.msk [tilespmem:v44+s11+$0x0], $0xffff  }
0x10e: {  	v35 =	vadd.f32 v36, v35;
	v36 =	vmul.f32 v37, v13;
	v37 =	vmul.f32 v39, v41;
	v39 =	vld.idx.msk [tilespmem:v44+s13+$0x0], $0xffff  }
0x10f: {  	v44 =	vor.u32 $0x1A, v34;
	v41 =	vld.idx.msk [tilespmem:v45+s11+$0x0], $0xffff  }
0x110: {  	v35 =	vadd.f32 v36, v35;
	v36 =	vmul.f32 v37, v12;
	v37 =	vmul.f32 v40, v42;
	v40 =	vld.idx.msk [tilespmem:v45+s13+$0x0], $0xffff  }
0x111: {  	v45 =	vor.u32 $0x1B, v34;
	v42 =	vld.idx.msk [tilespmem:v47+s11+$0x0], $0xffff  }
0x112: {  	v35 =	vadd.f32 v36, v35;
	v36 =	vmul.f32 v37, v11;
	v37 =	vmul.f32 v38, v46;
	v38 =	vld.idx.msk [tilespmem:v47+s13+$0x0], $0xffff  }
0x113: {  	v47 =	vor.u32 $0x1C, v34;
	v46 =	vld.idx.msk [tilespmem:v48+s11+$0x0], $0xffff  }
0x114: {  	v35 =	vadd.f32 v36, v35;
	v36 =	vmul.f32 v37, v10;
	v37 =	vmul.f32 v39, v43;
	v39 =	vld.idx.msk [tilespmem:v48+s13+$0x0], $0xffff  }
0x115: {  	v48 =	vor.u32 $0x1D, v34;
	v43 =	vld.idx.msk [tilespmem:v44+s11+$0x0], $0xffff  }
0x116: {  	v35 =	vadd.f32 v36, v35;
	v36 =	vmul.f32 v37, v9;
	v37 =	vmul.f32 v40, v41;
	v40 =	vld.idx.msk [tilespmem:v44+s13+$0x0], $0xffff  }
0x117: {  	v44 =	vor.u32 $0x1E, v34;
	v41 =	vld.idx.msk [tilespmem:v45+s11+$0x0], $0xffff  }
0x118: {  	v35 =	vadd.f32 v36, v35;
	v36 =	vmul.f32 v37, v8;
	v37 =	vmul.f32 v38, v42;
	v38 =	vld.idx.msk [tilespmem:v45+s13+$0x0], $0xffff  }
0x119: {  	v34 =	vor.u32 $0x1F, v34;
	v42 =	vld.idx.msk [tilespmem:v47+s11+$0x0], $0xffff  }
0x11a: {  	v35 =	vadd.f32 v36, v35;
	v36 =	vmul.f32 v37, v7;
	v37 =	vmul.f32 v39, v46;
	v39 =	vld.idx.msk [tilespmem:v47+s13+$0x0], $0xffff  }
0x11b: {  	v45 =	vld.idx.msk [tilespmem:v48+s11+$0x0], $0xffff  }
0x11c: {  	v35 =	vadd.f32 v36, v35;
	v36 =	vmul.f32 v37, v6;
	v37 =	vmul.f32 v40, v43;
	v40 =	vld.idx.msk [tilespmem:v48+s13+$0x0], $0xffff  }
0x11d: {  	v43 =	vld.idx.msk [tilespmem:v44+s11+$0x0], $0xffff  }
0x11e: {  	v35 =	vadd.f32 v36, v35;
	v36 =	vmul.f32 v37, v5;
	v37 =	vmul.f32 v38, v41;
	v38 =	vld.idx.msk [tilespmem:v44+s13+$0x0], $0xffff  }
0x11f: {  	v41 =	vld.idx.msk [tilespmem:v34+s11+$0x0], $0xffff  }
0x120: {  	v35 =	vadd.f32 v36, v35;
	v36 =	vmul.f32 v37, v4;
	v37 =	vmul.f32 v39, v42;
	v34 =	vld.idx.msk [tilespmem:v34+s13+$0x0], $0xffff;
	_ =	sdelay $0x1  }
0x121: {  	v35 =	vadd.f32 v36, v35;
	v36 =	vmul.f32 v37, v3;
	v37 =	vmul.f32 v40, v45  }
.Ltmp0:
0x122: {  	(pc) =	sbr.rel @p0 .LBB2_2-.Ltmp0, $4  }
0x123: {  	v35 =	vadd.f32 v36, v35;
	v36 =	vmul.f32 v37, v2;
	v37 =	vmul.f32 v38, v43  }
0x124: {  	v38 =	vmov s23  }
0x125: {  	v35 =	vadd.f32 v36, v35;
	v36 =	vmul.f32 v37, v1;
	v37 =	vmul.f32 v34, v41  }
0x126: {  	s23 =	sadd.s32 $0x10, s23;
	v34 =	vshll.u32 v38, $0x5  }
0x127: {  	v34 =	vor.u32 v0, v34;
	v35 =	vadd.f32 v36, v35;
	v49 =	vmul.f32 v37, v33;
	_ =	sdelay $0x1  }
0x128: {  	v50 =	vor.u32 $0x1, v34;
	v35 =	vadd.f32 v49, v35  }
0x129: {  	s22 =	sadd.s32 $0x10, s22  }
0x12a: {  	v51 =	vor.u32 $0x2, v34;
	[tilespmem:s22+$0x0] =	vst v35  }
0x12b: {  	v35 =	vld.idx.msk [tilespmem:v34+s13+$0x0], $0xffff  }
0x12c: {  	v39 =	vor.u32 $0x3, v34;
	v38 =	vld.idx.msk [tilespmem:v34+s11+$0x0], $0xffff  }
0x12d: {  	v40 =	vld.idx.msk [tilespmem:v50+s11+$0x0], $0xffff  }
0x12e: {  	v41 =	vor.u32 $0x4, v34;
	v37 =	vld.idx.msk [tilespmem:v50+s13+$0x0], $0xffff  }
0x12f: {  	v42 =	vld.idx.msk [tilespmem:v51+s11+$0x0], $0xffff  }
0x130: {  	v43 =	vor.u32 $0x5, v34;
	v36 =	vld.idx.msk [tilespmem:v51+s13+$0x0], $0xffff  }
0x131: {  	v44 =	vld.idx.msk [tilespmem:v39+s11+$0x0], $0xffff;
	v35 =	vmul.f32 v35, v38  }
0x132: {  	v53 =	vor.u32 $0x6, v34;
	v52 =	vld.idx.msk [tilespmem:v39+s13+$0x0], $0xffff  }
0x133: {  	v45 =	vld.idx.msk [tilespmem:v41+s11+$0x0], $0xffff;
	v54 =	vmul.f32 v37, v40;
	v31 =	vmul.f32 v35, v31  }
0x134: {  	v56 =	vor.u32 $0x7, v34;
	v55 =	vld.idx.msk [tilespmem:v41+s13+$0x0], $0xffff  }
0x135: {  	v57 =	vld.idx.msk [tilespmem:v43+s11+$0x0], $0xffff;
	v58 =	vmul.f32 v36, v42;
	v30 =	vmul.f32 v54, v30;
	v31 =	vadd.f32 v31, v32  }
0x136: {  	v59 =	vor.u32 $0x8, v34;
	v60 =	vld.idx.msk [tilespmem:v43+s13+$0x0], $0xffff  }
0x137: {  	v61 =	vld.idx.msk [tilespmem:v53+s11+$0x0], $0xffff;
	v62 =	vmul.f32 v52, v44;
	v29 =	vmul.f32 v58, v29;
	v30 =	vadd.f32 v30, v31  }
0x138: {  	v63 =	vor.u32 $0x9, v34;
	v44 =	vld.idx.msk [tilespmem:v53+s13+$0x0], $0xffff  }
0x139: {  	v46 =	vld.idx.msk [tilespmem:v56+s11+$0x0], $0xffff;
	v47 =	vmul.f32 v55, v45;
	v28 =	vmul.f32 v62, v28;
	v29 =	vadd.f32 v29, v30  }
0x13a: {  	v48 =	vor.u32 $0xA, v34;
	v49 =	vld.idx.msk [tilespmem:v56+s13+$0x0], $0xffff  }
0x13b: {  	v50 =	vld.idx.msk [tilespmem:v59+s11+$0x0], $0xffff;
	v51 =	vmul.f32 v60, v57;
	v27 =	vmul.f32 v47, v27;
	v28 =	vadd.f32 v28, v29  }
0x13c: {  	v52 =	vor.u32 $0xB, v34;
	v35 =	vld.idx.msk [tilespmem:v59+s13+$0x0], $0xffff  }
0x13d: {  	v53 =	vld.idx.msk [tilespmem:v63+s11+$0x0], $0xffff;
	v26 =	vmul.f32 v51, v26;
	v54 =	vmul.f32 v44, v61;
	v27 =	vadd.f32 v27, v28  }
0x13e: {  	v55 =	vor.u32 $0xC, v34;
	v32 =	vld.idx.msk [tilespmem:v63+s13+$0x0], $0xffff  }
0x13f: {  	v56 =	vld.idx.msk [tilespmem:v48+s11+$0x0], $0xffff;
	v57 =	vmul.f32 v49, v46;
	v25 =	vmul.f32 v54, v25;
	v26 =	vadd.f32 v26, v27  }
0x140: {  	v58 =	vor.u32 $0xD, v34;
	v31 =	vld.idx.msk [tilespmem:v48+s13+$0x0], $0xffff  }
0x141: {  	v24 =	vmul.f32 v57, v24;
	v59 =	vld.idx.msk [tilespmem:v52+s11+$0x0], $0xffff;
	v60 =	vmul.f32 v35, v50;
	v25 =	vadd.f32 v25, v26  }
0x142: {  	v61 =	vor.u32 $0xE, v34;
	v30 =	vld.idx.msk [tilespmem:v52+s13+$0x0], $0xffff  }
0x143: {  	v62 =	vld.idx.msk [tilespmem:v55+s11+$0x0], $0xffff;
	v23 =	vmul.f32 v60, v23;
	v63 =	vmul.f32 v32, v53;
	v24 =	vadd.f32 v24, v25  }
0x144: {  	v36 =	vor.u32 $0xF, v34;
	v29 =	vld.idx.msk [tilespmem:v55+s13+$0x0], $0xffff  }
0x145: {  	v39 =	vld.idx.msk [tilespmem:v58+s11+$0x0], $0xffff;
	v22 =	vmul.f32 v63, v22;
	v40 =	vmul.f32 v31, v56;
	v23 =	vadd.f32 v23, v24  }
0x146: {  	v41 =	vor.u32 $0x10, v34;
	v28 =	vld.idx.msk [tilespmem:v58+s13+$0x0], $0xffff  }
0x147: {  	v42 =	vld.idx.msk [tilespmem:v61+s11+$0x0], $0xffff;
	v21 =	vmul.f32 v40, v21;
	v43 =	vmul.f32 v30, v59;
	v22 =	vadd.f32 v22, v23  }
0x148: {  	v44 =	vor.u32 $0x11, v34;
	v27 =	vld.idx.msk [tilespmem:v61+s13+$0x0], $0xffff  }
0x149: {  	v45 =	vld.idx.msk [tilespmem:v36+s11+$0x0], $0xffff;
	v20 =	vmul.f32 v43, v20;
	v46 =	vmul.f32 v29, v62;
	v21 =	vadd.f32 v21, v22  }
0x14a: {  	v47 =	vor.u32 $0x12, v34;
	v26 =	vld.idx.msk [tilespmem:v36+s13+$0x0], $0xffff  }
0x14b: {  	v48 =	vld.idx.msk [tilespmem:v41+s11+$0x0], $0xffff;
	v19 =	vmul.f32 v46, v19;
	v49 =	vmul.f32 v28, v39;
	v20 =	vadd.f32 v20, v21  }
0x14c: {  	v50 =	vor.u32 $0x13, v34;
	v25 =	vld.idx.msk [tilespmem:v41+s13+$0x0], $0xffff  }
0x14d: {  	v51 =	vld.idx.msk [tilespmem:v44+s11+$0x0], $0xffff;
	v18 =	vmul.f32 v49, v18;
	v52 =	vmul.f32 v27, v42;
	v19 =	vadd.f32 v19, v20  }
0x14e: {  	v53 =	vor.u32 $0x14, v34;
	v24 =	vld.idx.msk [tilespmem:v44+s13+$0x0], $0xffff  }
0x14f: {  	v54 =	vld.idx.msk [tilespmem:v47+s11+$0x0], $0xffff;
	v17 =	vmul.f32 v52, v17;
	v55 =	vmul.f32 v26, v45;
	v18 =	vadd.f32 v18, v19  }
0x150: {  	v56 =	vor.u32 $0x15, v34;
	v23 =	vld.idx.msk [tilespmem:v47+s13+$0x0], $0xffff  }
0x151: {  	v57 =	vld.idx.msk [tilespmem:v50+s11+$0x0], $0xffff;
	v16 =	vmul.f32 v55, v16;
	v58 =	vmul.f32 v25, v48;
	v17 =	vadd.f32 v17, v18  }
0x152: {  	v59 =	vor.u32 $0x16, v34;
	v22 =	vld.idx.msk [tilespmem:v50+s13+$0x0], $0xffff  }
0x153: {  	v60 =	vld.idx.msk [tilespmem:v53+s11+$0x0], $0xffff;
	v15 =	vmul.f32 v58, v15;
	v61 =	vmul.f32 v24, v51;
	v16 =	vadd.f32 v16, v17  }
0x154: {  	v62 =	vor.u32 $0x17, v34;
	v21 =	vld.idx.msk [tilespmem:v53+s13+$0x0], $0xffff  }
0x155: {  	v63 =	vld.idx.msk [tilespmem:v56+s11+$0x0], $0xffff;
	v14 =	vmul.f32 v61, v14;
	v28 =	vmul.f32 v23, v54;
	v15 =	vadd.f32 v15, v16  }
0x156: {  	v29 =	vor.u32 $0x18, v34;
	v20 =	vld.idx.msk [tilespmem:v56+s13+$0x0], $0xffff  }
0x157: {  	v30 =	vld.idx.msk [tilespmem:v59+s11+$0x0], $0xffff;
	v13 =	vmul.f32 v28, v13;
	v31 =	vmul.f32 v22, v57;
	v14 =	vadd.f32 v14, v15  }
0x158: {  	v32 =	vor.u32 $0x19, v34;
	v19 =	vld.idx.msk [tilespmem:v59+s13+$0x0], $0xffff  }
0x159: {  	v35 =	vld.idx.msk [tilespmem:v62+s11+$0x0], $0xffff;
	v12 =	vmul.f32 v31, v12;
	v36 =	vmul.f32 v21, v60;
	v13 =	vadd.f32 v13, v14  }
0x15a: {  	v37 =	vor.u32 $0x1A, v34;
	v18 =	vld.idx.msk [tilespmem:v62+s13+$0x0], $0xffff  }
0x15b: {  	v38 =	vld.idx.msk [tilespmem:v29+s11+$0x0], $0xffff;
	v11 =	vmul.f32 v36, v11;
	v39 =	vmul.f32 v20, v63;
	v12 =	vadd.f32 v12, v13  }
0x15c: {  	v40 =	vor.u32 $0x1B, v34;
	v17 =	vld.idx.msk [tilespmem:v29+s13+$0x0], $0xffff  }
0x15d: {  	v41 =	vld.idx.msk [tilespmem:v32+s11+$0x0], $0xffff;
	v10 =	vmul.f32 v39, v10;
	v42 =	vmul.f32 v19, v30;
	v11 =	vadd.f32 v11, v12  }
0x15e: {  	v43 =	vor.u32 $0x1C, v34;
	v16 =	vld.idx.msk [tilespmem:v32+s13+$0x0], $0xffff  }
0x15f: {  	v44 =	vld.idx.msk [tilespmem:v37+s11+$0x0], $0xffff;
	v9 =	vmul.f32 v42, v9;
	v45 =	vmul.f32 v18, v35;
	v10 =	vadd.f32 v10, v11  }
0x160: {  	v46 =	vor.u32 $0x1D, v34;
	v15 =	vld.idx.msk [tilespmem:v37+s13+$0x0], $0xffff  }
0x161: {  	v47 =	vld.idx.msk [tilespmem:v40+s11+$0x0], $0xffff;
	v8 =	vmul.f32 v45, v8;
	v48 =	vmul.f32 v17, v38;
	v9 =	vadd.f32 v9, v10  }
0x162: {  	v49 =	vor.u32 $0x1E, v34;
	v14 =	vld.idx.msk [tilespmem:v40+s13+$0x0], $0xffff  }
0x163: {  	v50 =	vld.idx.msk [tilespmem:v43+s11+$0x0], $0xffff;
	v7 =	vmul.f32 v48, v7;
	v51 =	vmul.f32 v16, v41;
	v8 =	vadd.f32 v8, v9  }
0x164: {  	v52 =	vor.u32 $0x1F, v34;
	v13 =	vld.idx.msk [tilespmem:v43+s13+$0x0], $0xffff  }
0x165: {  	v55 =	vld.idx.msk [tilespmem:v46+s13+$0x0], $0xffff;
	v6 =	vmul.f32 v51, v6;
	v54 =	vmul.f32 v15, v44;
	v7 =	vadd.f32 v7, v8  }
0x166: {  	v53 =	vld.idx.msk [tilespmem:v46+s11+$0x0], $0xffff  }
0x167: {  	v58 =	vld.idx.msk [tilespmem:v49+s13+$0x0], $0xffff;
	v5 =	vmul.f32 v54, v5;
	v57 =	vmul.f32 v14, v47;
	v6 =	vadd.f32 v6, v7  }
0x168: {  	v56 =	vld.idx.msk [tilespmem:v49+s11+$0x0], $0xffff  }
0x169: {  	v61 =	vld.idx.msk [tilespmem:v52+s13+$0x0], $0xffff;
	v4 =	vmul.f32 v57, v4;
	v60 =	vmul.f32 v13, v50;
	v5 =	vadd.f32 v5, v6  }
0x16a: {  	v59 =	vld.idx.msk [tilespmem:v52+s11+$0x0], $0xffff  }
0x16b: {  	v62 =	vmul.f32 v55, v53;
	v3 =	vmul.f32 v60, v3;
	v4 =	vadd.f32 v4, v5;
	_ =	sdelay $0x1  }
0x16c: {  	v63 =	vmul.f32 v58, v56;
	v2 =	vmul.f32 v62, v2;
	v3 =	vadd.f32 v3, v4;
	_ =	sdelay $0x1  }
0x16d: {  	v1 =	vmul.f32 v63, v1;
	v2 =	vadd.f32 v2, v3;
	v3 =	vmul.f32 v61, v59;
	_ =	sdelay $0x1  }
0x16e: {  	v1 =	vadd.f32 v1, v2;
	v2 =	vmul.f32 v3, v33;
	_ =	sdelay $0x1  }
0x16f: {  	s21 =	sadd.s32 $0x1, s21;
	v1 =	vadd.f32 v2, v1  }
0x170: {  	p0 =	sne.s32 s21, s8;
	s22 =	sadd.s32 $0x10, s22  }
.Ltmp1:
0x171: {  	[tilespmem:s22+$0x0] =	vst v1;
	(pc) =	sbr.rel @p0 .LBB2_1-.Ltmp1, $4  }
0x172: {  	[hbm4b:s7+s2] =	stream.linear.scatter [tilespmem:s20], [sflag:$0x2], $0x200, $0x38;
	[tilespmem:$0x8610] =	vst v63  }
0x173: {  	_ =	swait.ge [sflag:s10], $0x200  }
0x174: {  	[sflag:s10] =	ssyncset.done $0x0  }
0x175: {  	[sflag:s10] =	ssyncadd.s32 $0xFFFFFE00  }
0x176: {  	_ =	sfence.sel $0x180000  }
0x177: {  	[bflag:$0x0] =	sbarrier.arrive $0xFFFF  }
0x178: {  	p0 =	sne.s32 s1, $0x0;
	_ =	strace $0x9000004A  }
0x179: {  	s0 =	sadd.s32 @!p0 $0x100000, s0;
	[bflag:$0x2] =	sbarrier.arrive $0xFFFF  }
0x17a: {  	[sflag:s0] =	ssyncadd.tile.s32 @!p0 $0x1;
	_ =	shalt  }
.Lfunc_end2:
_tile_overlayer_lowered:
.L_overlay_start_2:
0x17b: {  	(tag) =	ssettag $0x2  }
0x17c: {  	s0 =	rddreg [dreg:$0x0];
	s2 =	stileid.u32  }
0x17d: {  	s1 =	rddreg [dreg:$0x1];
	p0 =	sne.s32 s2, $0x0  }
0x17e: {  	s3 =	rddreg [dreg:$0x2];
	[bflag:$0x3] =	sbarrier.arrive $0xFFFF;
	s2 =	simm.s32 @!p0 $0x1C02  }
0x17f: {  	[timem:s3], [sflag:s2] =	dma.local @!p0 [hbm:s0], s1  }
0x180: {  	s0 =	simm.s32 @!p0 $0x2  }
0x181: {  	_ =	swait.ge @!p0 [sflag:s0], s1  }
0x182: {  	s1 =	ssub.s32 @!p0 $0x0, s1;
	[sflag:s0] =	ssyncset.done @!p0 $0x0  }
0x183: {  	[sflag:s0] =	ssyncadd.s32 @!p0 s1  }
0x184: {  	[bflag:$0x3] =	sbarrier.arrive $0xFFFF  }
0x185: {  	_ =	shalt  }

</sc_bundles>
